<compile_context>
chip_gen: v7x
topology: tpu7x:2x2x1
jax: 0.10.2.dev20260603
libtpu: 0.0.44.dev20260713+nightly
codegen_flags: <defaults>
</compile_context>

<pallas_src>
import functools

import jax
import jax.numpy as jnp
from jax import lax
from jax.experimental import pallas as pl
from jax.experimental.pallas import tpu as pltpu
from jax.experimental.pallas import tpu_sc as plsc

NUM_LABELED = 15080
OUT_CHANNELS = 2048
TEMP = 0.05
BATCH = 64

TILE = 1160
NTILES = NUM_LABELED // TILE

LANES = 16
ROWS_PER_W = 8
NWORKERS = BATCH // ROWS_PER_W


def _lse_body(feat_ref, mem_ref, out_ref, m_ref, s_ref):
    t = pl.program_id(0)

    @pl.when(t == 0)
    def _init():
        m_ref[...] = jnp.full((BATCH, 1), -jnp.inf, jnp.float32)
        s_ref[...] = jnp.zeros((BATCH, 1), jnp.float32)

    feat = feat_ref[...]
    logits = jax.lax.dot_general(
        feat, mem_ref[...], (((1,), (1,)), ((), ())),
        preferred_element_type=jnp.float32,
    )

    m_old = m_ref[...]
    m_new = jnp.maximum(m_old, jnp.max(logits, axis=1, keepdims=True))
    e = jnp.exp(logits - m_new)
    s_ref[...] = s_ref[...] * jnp.exp(m_old - m_new) + jnp.sum(
        e, axis=1, keepdims=True)
    m_ref[...] = m_new

    @pl.when(t == NTILES - 1)
    def _fini():
        lse = m_ref[...] + jnp.log(s_ref[...])
        out_ref[0, 0] = jnp.mean(lse)


def _mean_lse(feat, memory_features):
    out = pl.pallas_call(
        _lse_body,
        grid=(NTILES,),
        in_specs=[
            pl.BlockSpec((BATCH, OUT_CHANNELS), lambda t: (0, 0)),
            pl.BlockSpec((TILE, OUT_CHANNELS), lambda t: (t, 0)),
        ],
        out_specs=pl.BlockSpec(memory_space=pltpu.SMEM),
        out_shape=jax.ShapeDtypeStruct((1, 1), jnp.float32),
        scratch_shapes=[
            pltpu.VMEM((BATCH, 1), jnp.float32),
            pltpu.VMEM((BATCH, 1), jnp.float32),
        ],
    )(feat, memory_features)
    return out[0, 0]


NGROUPS = BATCH // ROWS_PER_W
NSPLIT = 4
CSLICE = OUT_CHANNELS // NSPLIT
NCHAINS = 4


def _picked_body(mem_hbm, tgt_hbm, feat_hbm, out_hbm,
                 idx_v, rows_v, feat_v, acc_v, sem):
    wid = lax.axis_index("s") * 2 + lax.axis_index("c")
    g = wid // NSPLIT
    j = wid % NSPLIT
    base = g * ROWS_PER_W
    c0 = j * CSLICE
    pltpu.sync_copy(tgt_hbm.at[pl.ds(base, ROWS_PER_W)], idx_v)
    gather = pltpu.async_copy(
        mem_hbm.at[idx_v, pl.ds(c0, CSLICE)], rows_v, sem)
    pltpu.sync_copy(
        feat_hbm.at[pl.ds(base, ROWS_PER_W), pl.ds(c0, CSLICE)], feat_v)
    gather.wait()
    span = NCHAINS * LANES
    for r in range(ROWS_PER_W):
        def _chunk(k, accs):
            o = k * span
            return tuple(
                accs[q] + rows_v[r, pl.ds(o + q * LANES, LANES)]
                * feat_v[r, pl.ds(o + q * LANES, LANES)]
                for q in range(NCHAINS))

        accs = lax.fori_loop(
            0, CSLICE // span, _chunk,
            tuple(jnp.zeros((LANES,), jnp.float32) for _ in range(NCHAINS)))
        tot = accs[0]
        for q in range(1, NCHAINS):
            tot = tot + accs[q]
        acc_v[r, :] = tot
    pltpu.sync_copy(acc_v, out_hbm.at[g, j])


def _picked_partials(memory_features, targets, feat):
    mesh = plsc.VectorSubcoreMesh(core_axis_name="c", subcore_axis_name="s")
    run = functools.partial(
        pl.kernel,
        mesh=mesh,
        out_type=jax.ShapeDtypeStruct(
            (NGROUPS, NSPLIT, ROWS_PER_W, LANES), jnp.float32),
        scratch_types=[
            pltpu.VMEM((ROWS_PER_W,), jnp.int32),
            pltpu.VMEM((ROWS_PER_W, CSLICE), jnp.float32),
            pltpu.VMEM((ROWS_PER_W, CSLICE), jnp.float32),
            pltpu.VMEM((ROWS_PER_W, LANES), jnp.float32),
            pltpu.SemaphoreType.DMA,
        ],
    )(_picked_body)
    return run(memory_features, targets, feat)


@jax.jit
def _loss(feat, targets, memory_features):
    mean_lse = _mean_lse(feat, memory_features)
    partials = _picked_partials(memory_features, targets, feat)
    picked = jnp.sum(partials, axis=(1, 3)).reshape(BATCH)
    return mean_lse - jnp.mean(picked)


def kernel(features, features_k, gt_labels, gt_labels_k, memory_features):
    pids = gt_labels[0, :, -1]
    mask = pids > -1
    feat = jnp.where(mask[:, None], features / TEMP, 0.0)
    targets = jnp.where(mask, pids, 0).astype(jnp.int32)
    return _loss(feat, targets, memory_features)

# --- scband reference (transcript-rebuilt; emitter-appended) ---
"""Pipeline reference for scband-hybrid-memory-23141283791269 (READ-ONLY COPY).

The authoritative reference and input builder live on the scoring server;
editing this copy changes nothing except your own understanding.
"""

import jax, jax.numpy as jnp
import numpy as np

NUM_LABELED = 15080
OUT_CHANNELS = 2048
TEMP = 0.05
MOMENTUM = 0.2
BATCH = 64


def setup_inputs(seed: int = 0) -> dict:
    key = jax.random.key(seed)
    k1, k2, k3, k4, k5 = jax.random.split(key, 5)
    features = jax.random.normal(k1, (BATCH, OUT_CHANNELS), dtype=jnp.float32)
    features_k = jax.random.normal(k2, (BATCH, OUT_CHANNELS), dtype=jnp.float32)
    gt_labels = jax.random.randint(k3, (1, BATCH, 5), 0, NUM_LABELED, dtype=jnp.int32)
    gt_labels_k = jax.random.randint(k4, (1, BATCH, 5), 0, NUM_LABELED, dtype=jnp.int32)
    # memory buffer (registered buffer 'features' in the torch module; zeros there,
    # initialized to normalized random vectors here to avoid degenerate all-zero logits)
    mem = jax.random.normal(k5, (NUM_LABELED, OUT_CHANNELS), dtype=jnp.float32)
    mem = mem / jnp.linalg.norm(mem, axis=1, keepdims=True)
    return {
        "features": features,
        "features_k": features_k,
        "gt_labels": gt_labels,
        "gt_labels_k": gt_labels_k,
        "memory_features": mem,
    }


def reference(features, features_k, gt_labels, gt_labels_k, memory_features):
    # pids = cat([i[:, -1] for i in gt_labels]) -- iterate over leading axis
    pids = jnp.concatenate([i[:, -1] for i in gt_labels])
    mask = pids > -1
    id_labeled = jnp.where(mask, pids, 0)
    feat_labeled = jnp.where(mask[:, None], features, 0.0)
    # HM.forward: inputs.mm(features.t())
    sim_all = feat_labeled @ memory_features.T
    sim_all = sim_all / TEMP
    N = sim_all.shape[0]
    labels = jnp.arange(NUM_LABELED, dtype=jnp.int32)
    targets = labels[id_labeled]
    # sim.index_add_(0, labels, sim_all.t())
    sim = jnp.zeros((NUM_LABELED, N), dtype=jnp.float32).at[labels].add(sim_all.T)
    # nums.index_add_(0, labels, ones)
    nums = jnp.zeros((NUM_LABELED, 1), dtype=jnp.float32).at[labels].add(
        jnp.ones((NUM_LABELED, 1), dtype=jnp.float32)
    )
    sim = sim / nums
    # F.cross_entropy(sim.t(), targets)
    logits = sim.T
    lse = jax.scipy.special.logsumexp(logits, axis=1)
    picked = logits[jnp.arange(N), targets]
    loss = jnp.mean(lse - picked)
    return loss

if __name__ == "__main__":
    import jax
    _d = setup_inputs()
    print(jax.jit(kernel)(*tuple(_d.values())))

</pallas_src>

<mosaic_0001>
#map = affine_map<(d0, d1) -> (0, 0)>
#map1 = affine_map<(d0, d1) -> (0)>
#map2 = affine_map<(d0, d1) -> (0, 0, 0, 0)>
module attributes {stable_mosaic.version = 14 : i64} {
  func.func @_picked_body(%arg0: i32, %arg1: i32, %arg2: memref<15080x2048xf32, #tpu.memory_space<hbm>>, %arg3: memref<64xi32, #tpu.memory_space<hbm>>, %arg4: memref<64x2048xf32, #tpu.memory_space<hbm>>, %arg5: memref<8x4x8x16xf32, #tpu.memory_space<hbm>>, %arg6: memref<8xi32, #tpu.memory_space<vmem>>, %arg7: memref<8x512xf32, #tpu.memory_space<vmem>>, %arg8: memref<8x512xf32, #tpu.memory_space<vmem>>, %arg9: memref<8x16xf32, #tpu.memory_space<vmem>>, %arg10: memref<!tpu.dma_semaphore, #tpu.memory_space<semaphore_mem>>) attributes {dimension_semantics = [#tpu.dimension_semantics<core_parallel>, #tpu.dimension_semantics<subcore_parallel>], iteration_bounds = array<i64: 2, 16>, scalar_prefetch = 0 : i64, scratch_operands = 5 : i64, tpu.core_type = #tpu.core_type<sc_vector_subcore>, window_params = [{transform_indices = #map}, {transform_indices = #map1}, {transform_indices = #map}, {transform_indices = #map2}]} {
    %mul3A = arith.constant 2 : i32
    %mul3A_0 = arith.muli %arg1, %mul3A : i32
    %add3A = arith.addi %mul3A_0, %arg0 : i32
    %jit3A = arith.constant 4 : i32
    %div3A = arith.divsi %add3A, %jit3A : i32
    %sign3A = arith.constant 0 : i32
    %sign3A_1 = arith.cmpi sgt, %add3A, %sign3A : i32
    %sign3A_2 = arith.extui %sign3A_1 : i1 to i32
    %sign3A_3 = arith.constant 0 : i32
    %sign3A_4 = arith.cmpi slt, %add3A, %sign3A_3 : i32
    %sign3A_5 = arith.extui %sign3A_4 : i1 to i32
    %sign3A_6 = arith.subi %sign3A_2, %sign3A_5 : i32
    %sign3A_7 = arith.constant 0 : i32
    %sign3A_8 = arith.cmpi sgt, %jit3A, %sign3A_7 : i32
    %sign3A_9 = arith.extui %sign3A_8 : i1 to i32
    %sign3A_10 = arith.constant 0 : i32
    %sign3A_11 = arith.cmpi slt, %jit3A, %sign3A_10 : i32
    %sign3A_12 = arith.extui %sign3A_11 : i1 to i32
    %sign3A_13 = arith.subi %sign3A_9, %sign3A_12 : i32
    %ne3A = arith.cmpi ne, %sign3A_6, %sign3A_13 : i32
    %rem3A = arith.remsi %add3A, %jit3A : i32
    %ne3A_14 = arith.constant 0 : i32
    %ne3A_15 = arith.cmpi ne, %rem3A, %ne3A_14 : i32
    %and3A = arith.andi %ne3A, %ne3A_15 : i1
    %sub3A = arith.constant 1 : i32
    %sub3A_16 = arith.subi %div3A, %sub3A : i32
    %select_n3A = arith.select %and3A, %sub3A_16, %div3A : i32
    %jit3A_17 = arith.constant 4 : i32
    %eq3A = arith.constant 0 : i32
    %eq3A_18 = arith.cmpi eq, %jit3A_17, %eq3A : i32
    %jit3A_19 = arith.constant 1 : i32
    %select_n3A_20 = arith.select %eq3A_18, %jit3A_19, %jit3A_17 : i32
    %rem3A_21 = arith.remsi %add3A, %select_n3A_20 : i32
    %ne3A_22 = arith.constant 0 : i32
    %ne3A_23 = arith.cmpi ne, %rem3A_21, %ne3A_22 : i32
    %lt3A = arith.constant 0 : i32
    %lt3A_24 = arith.cmpi slt, %rem3A_21, %lt3A : i32
    %lt3A_25 = arith.constant 0 : i32
    %lt3A_26 = arith.cmpi slt, %select_n3A_20, %lt3A_25 : i32
    %ne3A_27 = arith.xori %lt3A_24, %lt3A_26 : i1
    %and3A_28 = arith.andi %ne3A_27, %ne3A_23 : i1
    %add3A_29 = arith.addi %rem3A_21, %select_n3A_20 : i32
    %select_n3A_30 = arith.select %and3A_28, %add3A_29, %rem3A_21 : i32
    %mul3A_31 = arith.constant 8 : i32
    %mul3A_32 = arith.muli %select_n3A, %mul3A_31 : i32
    %mul3A_33 = arith.constant 512 : i32
    %mul3A_34 = arith.muli %select_n3A_30, %mul3A_33 : i32
    "tpu.region"() ({
      %run_scoped3A = tpu.sem_alloc : memref<!tpu.dma_semaphore, #tpu.memory_space<semaphore_mem>>
      %dma_start3A_218 = tpu.memref_slice %arg3[%mul3A_32] : memref<64xi32, #tpu.memory_space<hbm>> -> memref<8xi32, #tpu.memory_space<hbm>>
      %dma_start3A_219 = tpu.memref_slice %arg3[%mul3A_32] : memref<64xi32, #tpu.memory_space<hbm>> -> memref<8xi32, #tpu.memory_space<hbm>>
      tpu.enqueue_dma source(%dma_start3A_219 : memref<8xi32, #tpu.memory_space<hbm>>) target(%arg6 : memref<8xi32, #tpu.memory_space<vmem>>) target_semaphore(%run_scoped3A : memref<!tpu.dma_semaphore, #tpu.memory_space<semaphore_mem>>)
      %dma_wait3A_220 = tpu.memref_slice %arg3[%mul3A_32] : memref<64xi32, #tpu.memory_space<hbm>> -> memref<8xi32, #tpu.memory_space<hbm>>
      %dma_wait3A_221 = tpu.memref_slice %arg3[%mul3A_32] : memref<64xi32, #tpu.memory_space<hbm>> -> memref<8xi32, #tpu.memory_space<hbm>>
      tpu.wait_dma2 semaphore(%run_scoped3A : memref<!tpu.dma_semaphore, #tpu.memory_space<semaphore_mem>>) src(%dma_wait3A_221 : memref<8xi32, #tpu.memory_space<hbm>>) dst(%arg6 : memref<8xi32, #tpu.memory_space<vmem>>)
      tpu.yield
    }) : () -> ()
    %dma_start3A = arith.constant 0 : i32
    %dma_start3A_35 = tpu.memref_slice %arg2[%dma_start3A, %mul3A_34] : memref<15080x2048xf32, #tpu.memory_space<hbm>> -> memref<15080x512xf32, #tpu.memory_space<hbm>>
    tpu.enqueue_indirect_dma source(%dma_start3A_35 : memref<15080x512xf32, #tpu.memory_space<hbm>>) target(%arg7 : memref<8x512xf32, #tpu.memory_space<vmem>>) offsets(%arg6 : memref<8xi32, #tpu.memory_space<vmem>>) semaphore(%arg10 : memref<!tpu.dma_semaphore, #tpu.memory_space<semaphore_mem>>)
    "tpu.region"() ({
      %run_scoped3A = tpu.sem_alloc : memref<!tpu.dma_semaphore, #tpu.memory_space<semaphore_mem>>
      %dma_start3A_218 = tpu.memref_slice %arg4[%mul3A_32, %mul3A_34] : memref<64x2048xf32, #tpu.memory_space<hbm>> -> memref<8x512xf32, #tpu.memory_space<hbm>>
      %dma_start3A_219 = tpu.memref_slice %arg4[%mul3A_32, %mul3A_34] : memref<64x2048xf32, #tpu.memory_space<hbm>> -> memref<8x512xf32, #tpu.memory_space<hbm>>
      tpu.enqueue_dma source(%dma_start3A_219 : memref<8x512xf32, #tpu.memory_space<hbm>>) target(%arg8 : memref<8x512xf32, #tpu.memory_space<vmem>>) target_semaphore(%run_scoped3A : memref<!tpu.dma_semaphore, #tpu.memory_space<semaphore_mem>>)
      %dma_wait3A_220 = tpu.memref_slice %arg4[%mul3A_32, %mul3A_34] : memref<64x2048xf32, #tpu.memory_space<hbm>> -> memref<8x512xf32, #tpu.memory_space<hbm>>
      %dma_wait3A_221 = tpu.memref_slice %arg4[%mul3A_32, %mul3A_34] : memref<64x2048xf32, #tpu.memory_space<hbm>> -> memref<8x512xf32, #tpu.memory_space<hbm>>
      tpu.wait_dma2 semaphore(%run_scoped3A : memref<!tpu.dma_semaphore, #tpu.memory_space<semaphore_mem>>) src(%dma_wait3A_221 : memref<8x512xf32, #tpu.memory_space<hbm>>) dst(%arg8 : memref<8x512xf32, #tpu.memory_space<vmem>>)
      tpu.yield
    }) : () -> ()
    %dma_wait3A = arith.constant 0 : i32
    %dma_wait3A_36 = tpu.memref_slice %arg2[%dma_wait3A, %mul3A_34] : memref<15080x2048xf32, #tpu.memory_space<hbm>> -> memref<15080x512xf32, #tpu.memory_space<hbm>>
    tpu.wait_indirect_dma semaphore(%arg10 : memref<!tpu.dma_semaphore, #tpu.memory_space<semaphore_mem>>) src(%dma_wait3A_36 : memref<15080x512xf32, #tpu.memory_space<hbm>>) dst(%arg7 : memref<8x512xf32, #tpu.memory_space<vmem>>)
    %broadcast_in_dim3A = arith.constant 0.000000e+00 : f32
    %broadcast_in_dim3A_37 = vector.broadcast %broadcast_in_dim3A : f32 to vector<16xf32>
    %broadcast_in_dim3A_38 = arith.constant 0.000000e+00 : f32
    %broadcast_in_dim3A_39 = vector.broadcast %broadcast_in_dim3A_38 : f32 to vector<16xf32>
    %broadcast_in_dim3A_40 = arith.constant 0.000000e+00 : f32
    %broadcast_in_dim3A_41 = vector.broadcast %broadcast_in_dim3A_40 : f32 to vector<16xf32>
    %broadcast_in_dim3A_42 = arith.constant 0.000000e+00 : f32
    %broadcast_in_dim3A_43 = vector.broadcast %broadcast_in_dim3A_42 : f32 to vector<16xf32>
    %scan3A = arith.constant 0 : i32
    %scan3A_44 = arith.constant 8 : i32
    %scan3A_45 = arith.addi %scan3A, %scan3A_44 : i32
    %scan3A_46 = arith.constant 1 : i32
    %scan3A_47:4 = scf.for %scan3A_218 = %scan3A to %scan3A_45 step %scan3A_46 iter_args(%scan3A_219 = %broadcast_in_dim3A_37, %scan3A_220 = %broadcast_in_dim3A_39, %scan3A_221 = %broadcast_in_dim3A_41, %scan3A_222 = %broadcast_in_dim3A_43) -> (vector<16xf32>, vector<16xf32>, vector<16xf32>, vector<16xf32>)  : i32 {
      %mul3A_223 = arith.constant 64 : i32
      %mul3A_224 = arith.muli %scan3A_218, %mul3A_223 : i32
      %add3A_225 = arith.constant 0 : i32
      %add3A_226 = arith.addi %mul3A_224, %add3A_225 : i32
      %get3A = arith.constant 0 : i32
      %get3A_227 = arith.index_cast %get3A : i32 to index
      %get3A_228 = arith.index_cast %add3A_226 : i32 to index
      %get3A_229 = tpu.vector_load %arg7[%get3A_227, %get3A_228] {strides = array<i32>} : memref<8x512xf32, #tpu.memory_space<vmem>>, vector<1x16xf32>,
      %get3A_230 = vector.shape_cast %get3A_229 : vector<1x16xf32> to vector<16xf32>
      %add3A_231 = arith.constant 0 : i32
      %add3A_232 = arith.addi %mul3A_224, %add3A_231 : i32
      %get3A_233 = arith.constant 0 : i32
      %get3A_234 = arith.index_cast %get3A_233 : i32 to index
      %get3A_235 = arith.index_cast %add3A_232 : i32 to index
      %get3A_236 = tpu.vector_load %arg8[%get3A_234, %get3A_235] {strides = array<i32>} : memref<8x512xf32, #tpu.memory_space<vmem>>, vector<1x16xf32>,
      %get3A_237 = vector.shape_cast %get3A_236 : vector<1x16xf32> to vector<16xf32>
      %mul3A_238 = arith.mulf %get3A_230, %get3A_237 : vector<16xf32>
      %add3A_239 = arith.addf %scan3A_219, %mul3A_238 : vector<16xf32>
      %add3A_240 = arith.constant 16 : i32
      %add3A_241 = arith.addi %mul3A_224, %add3A_240 : i32
      %get3A_242 = arith.constant 0 : i32
      %get3A_243 = arith.index_cast %get3A_242 : i32 to index
      %get3A_244 = arith.index_cast %add3A_241 : i32 to index
      %get3A_245 = tpu.vector_load %arg7[%get3A_243, %get3A_244] {strides = array<i32>} : memref<8x512xf32, #tpu.memory_space<vmem>>, vector<1x16xf32>,
      %get3A_246 = vector.shape_cast %get3A_245 : vector<1x16xf32> to vector<16xf32>
      %add3A_247 = arith.constant 16 : i32
      %add3A_248 = arith.addi %mul3A_224, %add3A_247 : i32
      %get3A_249 = arith.constant 0 : i32
      %get3A_250 = arith.index_cast %get3A_249 : i32 to index
      %get3A_251 = arith.index_cast %add3A_248 : i32 to index
      %get3A_252 = tpu.vector_load %arg8[%get3A_250, %get3A_251] {strides = array<i32>} : memref<8x512xf32, #tpu.memory_space<vmem>>, vector<1x16xf32>,
      %get3A_253 = vector.shape_cast %get3A_252 : vector<1x16xf32> to vector<16xf32>
      %mul3A_254 = arith.mulf %get3A_246, %get3A_253 : vector<16xf32>
      %add3A_255 = arith.addf %scan3A_220, %mul3A_254 : vector<16xf32>
      %add3A_256 = arith.constant 32 : i32
      %add3A_257 = arith.addi %mul3A_224, %add3A_256 : i32
      %get3A_258 = arith.constant 0 : i32
      %get3A_259 = arith.index_cast %get3A_258 : i32 to index
      %get3A_260 = arith.index_cast %add3A_257 : i32 to index
      %get3A_261 = tpu.vector_load %arg7[%get3A_259, %get3A_260] {strides = array<i32>} : memref<8x512xf32, #tpu.memory_space<vmem>>, vector<1x16xf32>,
      %get3A_262 = vector.shape_cast %get3A_261 : vector<1x16xf32> to vector<16xf32>
      %add3A_263 = arith.constant 32 : i32
      %add3A_264 = arith.addi %mul3A_224, %add3A_263 : i32
      %get3A_265 = arith.constant 0 : i32
      %get3A_266 = arith.index_cast %get3A_265 : i32 to index
      %get3A_267 = arith.index_cast %add3A_264 : i32 to index
      %get3A_268 = tpu.vector_load %arg8[%get3A_266, %get3A_267] {strides = array<i32>} : memref<8x512xf32, #tpu.memory_space<vmem>>, vector<1x16xf32>,
      %get3A_269 = vector.shape_cast %get3A_268 : vector<1x16xf32> to vector<16xf32>
      %mul3A_270 = arith.mulf %get3A_262, %get3A_269 : vector<16xf32>
      %add3A_271 = arith.addf %scan3A_221, %mul3A_270 : vector<16xf32>
      %add3A_272 = arith.constant 48 : i32
      %add3A_273 = arith.addi %mul3A_224, %add3A_272 : i32
      %get3A_274 = arith.constant 0 : i32
      %get3A_275 = arith.index_cast %get3A_274 : i32 to index
      %get3A_276 = arith.index_cast %add3A_273 : i32 to index
      %get3A_277 = tpu.vector_load %arg7[%get3A_275, %get3A_276] {strides = array<i32>} : memref<8x512xf32, #tpu.memory_space<vmem>>, vector<1x16xf32>,
      %get3A_278 = vector.shape_cast %get3A_277 : vector<1x16xf32> to vector<16xf32>
      %add3A_279 = arith.constant 48 : i32
      %add3A_280 = arith.addi %mul3A_224, %add3A_279 : i32
      %get3A_281 = arith.constant 0 : i32
      %get3A_282 = arith.index_cast %get3A_281 : i32 to index
      %get3A_283 = arith.index_cast %add3A_280 : i32 to index
      %get3A_284 = tpu.vector_load %arg8[%get3A_282, %get3A_283] {strides = array<i32>} : memref<8x512xf32, #tpu.memory_space<vmem>>, vector<1x16xf32>,
      %get3A_285 = vector.shape_cast %get3A_284 : vector<1x16xf32> to vector<16xf32>
      %mul3A_286 = arith.mulf %get3A_278, %get3A_285 : vector<16xf32>
      %add3A_287 = arith.addf %scan3A_222, %mul3A_286 : vector<16xf32>
      scf.yield %add3A_239, %add3A_255, %add3A_271, %add3A_287 : vector<16xf32>, vector<16xf32>, vector<16xf32>, vector<16xf32>
    }
    %scan3A_48 = arith.constant 8 : i32
    %add3A_49 = arith.addf %scan3A_47#0, %scan3A_47#1 : vector<16xf32>
    %add3A_50 = arith.addf %add3A_49, %scan3A_47#2 : vector<16xf32>
    %add3A_51 = arith.addf %add3A_50, %scan3A_47#3 : vector<16xf32>
    %swap3A = arith.constant 0 : i32
    %swap3A_52 = arith.index_cast %swap3A : i32 to index
    %swap3A_53 = arith.constant 0 : index
    %swap3A_54 = tpu.vector_load %arg9[%swap3A_52, %swap3A_53] {strides = array<i32>} : memref<8x16xf32, #tpu.memory_space<vmem>>, vector<1x16xf32>,
    %swap3A_55 = vector.shape_cast %swap3A_54 : vector<1x16xf32> to vector<16xf32>
    %swap3A_56 = vector.shape_cast %add3A_51 : vector<16xf32> to vector<1x16xf32>
    tpu.vector_store %arg9[%swap3A_52, %swap3A_53], %swap3A_56 {strides = array<i32>} : memref<8x16xf32, #tpu.memory_space<vmem>>, vector<1x16xf32>,
    %broadcast_in_dim3A_57 = arith.constant 0.000000e+00 : f32
    %broadcast_in_dim3A_58 = vector.broadcast %broadcast_in_dim3A_57 : f32 to vector<16xf32>
    %broadcast_in_dim3A_59 = arith.constant 0.000000e+00 : f32
    %broadcast_in_dim3A_60 = vector.broadcast %broadcast_in_dim3A_59 : f32 to vector<16xf32>
    %broadcast_in_dim3A_61 = arith.constant 0.000000e+00 : f32
    %broadcast_in_dim3A_62 = vector.broadcast %broadcast_in_dim3A_61 : f32 to vector<16xf32>
    %broadcast_in_dim3A_63 = arith.constant 0.000000e+00 : f32
    %broadcast_in_dim3A_64 = vector.broadcast %broadcast_in_dim3A_63 : f32 to vector<16xf32>
    %scan3A_65 = arith.constant 0 : i32
    %scan3A_66 = arith.constant 8 : i32
    %scan3A_67 = arith.addi %scan3A_65, %scan3A_66 : i32
    %scan3A_68 = arith.constant 1 : i32
    %scan3A_69:4 = scf.for %scan3A_218 = %scan3A_65 to %scan3A_67 step %scan3A_68 iter_args(%scan3A_219 = %broadcast_in_dim3A_58, %scan3A_220 = %broadcast_in_dim3A_60, %scan3A_221 = %broadcast_in_dim3A_62, %scan3A_222 = %broadcast_in_dim3A_64) -> (vector<16xf32>, vector<16xf32>, vector<16xf32>, vector<16xf32>)  : i32 {
      %mul3A_223 = arith.constant 64 : i32
      %mul3A_224 = arith.muli %scan3A_218, %mul3A_223 : i32
      %add3A_225 = arith.constant 0 : i32
      %add3A_226 = arith.addi %mul3A_224, %add3A_225 : i32
      %get3A = arith.constant 1 : i32
      %get3A_227 = arith.index_cast %get3A : i32 to index
      %get3A_228 = arith.index_cast %add3A_226 : i32 to index
      %get3A_229 = tpu.vector_load %arg7[%get3A_227, %get3A_228] {strides = array<i32>} : memref<8x512xf32, #tpu.memory_space<vmem>>, vector<1x16xf32>,
      %get3A_230 = vector.shape_cast %get3A_229 : vector<1x16xf32> to vector<16xf32>
      %add3A_231 = arith.constant 0 : i32
      %add3A_232 = arith.addi %mul3A_224, %add3A_231 : i32
      %get3A_233 = arith.constant 1 : i32
      %get3A_234 = arith.index_cast %get3A_233 : i32 to index
      %get3A_235 = arith.index_cast %add3A_232 : i32 to index
      %get3A_236 = tpu.vector_load %arg8[%get3A_234, %get3A_235] {strides = array<i32>} : memref<8x512xf32, #tpu.memory_space<vmem>>, vector<1x16xf32>,
      %get3A_237 = vector.shape_cast %get3A_236 : vector<1x16xf32> to vector<16xf32>
      %mul3A_238 = arith.mulf %get3A_230, %get3A_237 : vector<16xf32>
      %add3A_239 = arith.addf %scan3A_219, %mul3A_238 : vector<16xf32>
      %add3A_240 = arith.constant 16 : i32
      %add3A_241 = arith.addi %mul3A_224, %add3A_240 : i32
      %get3A_242 = arith.constant 1 : i32
      %get3A_243 = arith.index_cast %get3A_242 : i32 to index
      %get3A_244 = arith.index_cast %add3A_241 : i32 to index
      %get3A_245 = tpu.vector_load %arg7[%get3A_243, %get3A_244] {strides = array<i32>} : memref<8x512xf32, #tpu.memory_space<vmem>>, vector<1x16xf32>,
      %get3A_246 = vector.shape_cast %get3A_245 : vector<1x16xf32> to vector<16xf32>
      %add3A_247 = arith.constant 16 : i32
      %add3A_248 = arith.addi %mul3A_224, %add3A_247 : i32
      %get3A_249 = arith.constant 1 : i32
      %get3A_250 = arith.index_cast %get3A_249 : i32 to index
      %get3A_251 = arith.index_cast %add3A_248 : i32 to index
      %get3A_252 = tpu.vector_load %arg8[%get3A_250, %get3A_251] {strides = array<i32>} : memref<8x512xf32, #tpu.memory_space<vmem>>, vector<1x16xf32>,
      %get3A_253 = vector.shape_cast %get3A_252 : vector<1x16xf32> to vector<16xf32>
      %mul3A_254 = arith.mulf %get3A_246, %get3A_253 : vector<16xf32>
      %add3A_255 = arith.addf %scan3A_220, %mul3A_254 : vector<16xf32>
      %add3A_256 = arith.constant 32 : i32
      %add3A_257 = arith.addi %mul3A_224, %add3A_256 : i32
      %get3A_258 = arith.constant 1 : i32
      %get3A_259 = arith.index_cast %get3A_258 : i32 to index
      %get3A_260 = arith.index_cast %add3A_257 : i32 to index
      %get3A_261 = tpu.vector_load %arg7[%get3A_259, %get3A_260] {strides = array<i32>} : memref<8x512xf32, #tpu.memory_space<vmem>>, vector<1x16xf32>,
      %get3A_262 = vector.shape_cast %get3A_261 : vector<1x16xf32> to vector<16xf32>
      %add3A_263 = arith.constant 32 : i32
      %add3A_264 = arith.addi %mul3A_224, %add3A_263 : i32
      %get3A_265 = arith.constant 1 : i32
      %get3A_266 = arith.index_cast %get3A_265 : i32 to index
      %get3A_267 = arith.index_cast %add3A_264 : i32 to index
      %get3A_268 = tpu.vector_load %arg8[%get3A_266, %get3A_267] {strides = array<i32>} : memref<8x512xf32, #tpu.memory_space<vmem>>, vector<1x16xf32>,
      %get3A_269 = vector.shape_cast %get3A_268 : vector<1x16xf32> to vector<16xf32>
      %mul3A_270 = arith.mulf %get3A_262, %get3A_269 : vector<16xf32>
      %add3A_271 = arith.addf %scan3A_221, %mul3A_270 : vector<16xf32>
      %add3A_272 = arith.constant 48 : i32
      %add3A_273 = arith.addi %mul3A_224, %add3A_272 : i32
      %get3A_274 = arith.constant 1 : i32
      %get3A_275 = arith.index_cast %get3A_274 : i32 to index
      %get3A_276 = arith.index_cast %add3A_273 : i32 to index
      %get3A_277 = tpu.vector_load %arg7[%get3A_275, %get3A_276] {strides = array<i32>} : memref<8x512xf32, #tpu.memory_space<vmem>>, vector<1x16xf32>,
      %get3A_278 = vector.shape_cast %get3A_277 : vector<1x16xf32> to vector<16xf32>
      %add3A_279 = arith.constant 48 : i32
      %add3A_280 = arith.addi %mul3A_224, %add3A_279 : i32
      %get3A_281 = arith.constant 1 : i32
      %get3A_282 = arith.index_cast %get3A_281 : i32 to index
      %get3A_283 = arith.index_cast %add3A_280 : i32 to index
      %get3A_284 = tpu.vector_load %arg8[%get3A_282, %get3A_283] {strides = array<i32>} : memref<8x512xf32, #tpu.memory_space<vmem>>, vector<1x16xf32>,
      %get3A_285 = vector.shape_cast %get3A_284 : vector<1x16xf32> to vector<16xf32>
      %mul3A_286 = arith.mulf %get3A_278, %get3A_285 : vector<16xf32>
      %add3A_287 = arith.addf %scan3A_222, %mul3A_286 : vector<16xf32>
      scf.yield %add3A_239, %add3A_255, %add3A_271, %add3A_287 : vector<16xf32>, vector<16xf32>, vector<16xf32>, vector<16xf32>
    }
    %scan3A_70 = arith.constant 8 : i32
    %add3A_71 = arith.addf %scan3A_69#0, %scan3A_69#1 : vector<16xf32>
    %add3A_72 = arith.addf %add3A_71, %scan3A_69#2 : vector<16xf32>
    %add3A_73 = arith.addf %add3A_72, %scan3A_69#3 : vector<16xf32>
    %swap3A_74 = arith.constant 1 : i32
    %swap3A_75 = arith.index_cast %swap3A_74 : i32 to index
    %swap3A_76 = arith.constant 0 : index
    %swap3A_77 = tpu.vector_load %arg9[%swap3A_75, %swap3A_76] {strides = array<i32>} : memref<8x16xf32, #tpu.memory_space<vmem>>, vector<1x16xf32>,
    %swap3A_78 = vector.shape_cast %swap3A_77 : vector<1x16xf32> to vector<16xf32>
    %swap3A_79 = vector.shape_cast %add3A_73 : vector<16xf32> to vector<1x16xf32>
    tpu.vector_store %arg9[%swap3A_75, %swap3A_76], %swap3A_79 {strides = array<i32>} : memref<8x16xf32, #tpu.memory_space<vmem>>, vector<1x16xf32>,
    %broadcast_in_dim3A_80 = arith.constant 0.000000e+00 : f32
    %broadcast_in_dim3A_81 = vector.broadcast %broadcast_in_dim3A_80 : f32 to vector<16xf32>
    %broadcast_in_dim3A_82 = arith.constant 0.000000e+00 : f32
    %broadcast_in_dim3A_83 = vector.broadcast %broadcast_in_dim3A_82 : f32 to vector<16xf32>
    %broadcast_in_dim3A_84 = arith.constant 0.000000e+00 : f32
    %broadcast_in_dim3A_85 = vector.broadcast %broadcast_in_dim3A_84 : f32 to vector<16xf32>
    %broadcast_in_dim3A_86 = arith.constant 0.000000e+00 : f32
    %broadcast_in_dim3A_87 = vector.broadcast %broadcast_in_dim3A_86 : f32 to vector<16xf32>
    %scan3A_88 = arith.constant 0 : i32
    %scan3A_89 = arith.constant 8 : i32
    %scan3A_90 = arith.addi %scan3A_88, %scan3A_89 : i32
    %scan3A_91 = arith.constant 1 : i32
    %scan3A_92:4 = scf.for %scan3A_218 = %scan3A_88 to %scan3A_90 step %scan3A_91 iter_args(%scan3A_219 = %broadcast_in_dim3A_81, %scan3A_220 = %broadcast_in_dim3A_83, %scan3A_221 = %broadcast_in_dim3A_85, %scan3A_222 = %broadcast_in_dim3A_87) -> (vector<16xf32>, vector<16xf32>, vector<16xf32>, vector<16xf32>)  : i32 {
      %mul3A_223 = arith.constant 64 : i32
      %mul3A_224 = arith.muli %scan3A_218, %mul3A_223 : i32
      %add3A_225 = arith.constant 0 : i32
      %add3A_226 = arith.addi %mul3A_224, %add3A_225 : i32
      %get3A = arith.constant 2 : i32
      %get3A_227 = arith.index_cast %get3A : i32 to index
      %get3A_228 = arith.index_cast %add3A_226 : i32 to index
      %get3A_229 = tpu.vector_load %arg7[%get3A_227, %get3A_228] {strides = array<i32>} : memref<8x512xf32, #tpu.memory_space<vmem>>, vector<1x16xf32>,
      %get3A_230 = vector.shape_cast %get3A_229 : vector<1x16xf32> to vector<16xf32>
      %add3A_231 = arith.constant 0 : i32
      %add3A_232 = arith.addi %mul3A_224, %add3A_231 : i32
      %get3A_233 = arith.constant 2 : i32
      %get3A_234 = arith.index_cast %get3A_233 : i32 to index
      %get3A_235 = arith.index_cast %add3A_232 : i32 to index
      %get3A_236 = tpu.vector_load %arg8[%get3A_234, %get3A_235] {strides = array<i32>} : memref<8x512xf32, #tpu.memory_space<vmem>>, vector<1x16xf32>,
      %get3A_237 = vector.shape_cast %get3A_236 : vector<1x16xf32> to vector<16xf32>
      %mul3A_238 = arith.mulf %get3A_230, %get3A_237 : vector<16xf32>
      %add3A_239 = arith.addf %scan3A_219, %mul3A_238 : vector<16xf32>
      %add3A_240 = arith.constant 16 : i32
      %add3A_241 = arith.addi %mul3A_224, %add3A_240 : i32
      %get3A_242 = arith.constant 2 : i32
      %get3A_243 = arith.index_cast %get3A_242 : i32 to index
      %get3A_244 = arith.index_cast %add3A_241 : i32 to index
      %get3A_245 = tpu.vector_load %arg7[%get3A_243, %get3A_244] {strides = array<i32>} : memref<8x512xf32, #tpu.memory_space<vmem>>, vector<1x16xf32>,
      %get3A_246 = vector.shape_cast %get3A_245 : vector<1x16xf32> to vector<16xf32>
      %add3A_247 = arith.constant 16 : i32
      %add3A_248 = arith.addi %mul3A_224, %add3A_247 : i32
      %get3A_249 = arith.constant 2 : i32
      %get3A_250 = arith.index_cast %get3A_249 : i32 to index
      %get3A_251 = arith.index_cast %add3A_248 : i32 to index
      %get3A_252 = tpu.vector_load %arg8[%get3A_250, %get3A_251] {strides = array<i32>} : memref<8x512xf32, #tpu.memory_space<vmem>>, vector<1x16xf32>,
      %get3A_253 = vector.shape_cast %get3A_252 : vector<1x16xf32> to vector<16xf32>
      %mul3A_254 = arith.mulf %get3A_246, %get3A_253 : vector<16xf32>
      %add3A_255 = arith.addf %scan3A_220, %mul3A_254 : vector<16xf32>
      %add3A_256 = arith.constant 32 : i32
      %add3A_257 = arith.addi %mul3A_224, %add3A_256 : i32
      %get3A_258 = arith.constant 2 : i32
      %get3A_259 = arith.index_cast %get3A_258 : i32 to index
      %get3A_260 = arith.index_cast %add3A_257 : i32 to index
      %get3A_261 = tpu.vector_load %arg7[%get3A_259, %get3A_260] {strides = array<i32>} : memref<8x512xf32, #tpu.memory_space<vmem>>, vector<1x16xf32>,
      %get3A_262 = vector.shape_cast %get3A_261 : vector<1x16xf32> to vector<16xf32>
      %add3A_263 = arith.constant 32 : i32
      %add3A_264 = arith.addi %mul3A_224, %add3A_263 : i32
      %get3A_265 = arith.constant 2 : i32
      %get3A_266 = arith.index_cast %get3A_265 : i32 to index
      %get3A_267 = arith.index_cast %add3A_264 : i32 to index
      %get3A_268 = tpu.vector_load %arg8[%get3A_266, %get3A_267] {strides = array<i32>} : memref<8x512xf32, #tpu.memory_space<vmem>>, vector<1x16xf32>,
      %get3A_269 = vector.shape_cast %get3A_268 : vector<1x16xf32> to vector<16xf32>
      %mul3A_270 = arith.mulf %get3A_262, %get3A_269 : vector<16xf32>
      %add3A_271 = arith.addf %scan3A_221, %mul3A_270 : vector<16xf32>
      %add3A_272 = arith.constant 48 : i32
      %add3A_273 = arith.addi %mul3A_224, %add3A_272 : i32
      %get3A_274 = arith.constant 2 : i32
      %get3A_275 = arith.index_cast %get3A_274 : i32 to index
      %get3A_276 = arith.index_cast %add3A_273 : i32 to index
      %get3A_277 = tpu.vector_load %arg7[%get3A_275, %get3A_276] {strides = array<i32>} : memref<8x512xf32, #tpu.memory_space<vmem>>, vector<1x16xf32>,
      %get3A_278 = vector.shape_cast %get3A_277 : vector<1x16xf32> to vector<16xf32>
      %add3A_279 = arith.constant 48 : i32
      %add3A_280 = arith.addi %mul3A_224, %add3A_279 : i32
      %get3A_281 = arith.constant 2 : i32
      %get3A_282 = arith.index_cast %get3A_281 : i32 to index
      %get3A_283 = arith.index_cast %add3A_280 : i32 to index
      %get3A_284 = tpu.vector_load %arg8[%get3A_282, %get3A_283] {strides = array<i32>} : memref<8x512xf32, #tpu.memory_space<vmem>>, vector<1x16xf32>,
      %get3A_285 = vector.shape_cast %get3A_284 : vector<1x16xf32> to vector<16xf32>
      %mul3A_286 = arith.mulf %get3A_278, %get3A_285 : vector<16xf32>
      %add3A_287 = arith.addf %scan3A_222, %mul3A_286 : vector<16xf32>
      scf.yield %add3A_239, %add3A_255, %add3A_271, %add3A_287 : vector<16xf32>, vector<16xf32>, vector<16xf32>, vector<16xf32>
    }
    %scan3A_93 = arith.constant 8 : i32
    %add3A_94 = arith.addf %scan3A_92#0, %scan3A_92#1 : vector<16xf32>
    %add3A_95 = arith.addf %add3A_94, %scan3A_92#2 : vector<16xf32>
    %add3A_96 = arith.addf %add3A_95, %scan3A_92#3 : vector<16xf32>
    %swap3A_97 = arith.constant 2 : i32
    %swap3A_98 = arith.index_cast %swap3A_97 : i32 to index
    %swap3A_99 = arith.constant 0 : index
    %swap3A_100 = tpu.vector_load %arg9[%swap3A_98, %swap3A_99] {strides = array<i32>} : memref<8x16xf32, #tpu.memory_space<vmem>>, vector<1x16xf32>,
    %swap3A_101 = vector.shape_cast %swap3A_100 : vector<1x16xf32> to vector<16xf32>
    %swap3A_102 = vector.shape_cast %add3A_96 : vector<16xf32> to vector<1x16xf32>
    tpu.vector_store %arg9[%swap3A_98, %swap3A_99], %swap3A_102 {strides = array<i32>} : memref<8x16xf32, #tpu.memory_space<vmem>>, vector<1x16xf32>,
    %broadcast_in_dim3A_103 = arith.constant 0.000000e+00 : f32
    %broadcast_in_dim3A_104 = vector.broadcast %broadcast_in_dim3A_103 : f32 to vector<16xf32>
    %broadcast_in_dim3A_105 = arith.constant 0.000000e+00 : f32
    %broadcast_in_dim3A_106 = vector.broadcast %broadcast_in_dim3A_105 : f32 to vector<16xf32>
    %broadcast_in_dim3A_107 = arith.constant 0.000000e+00 : f32
    %broadcast_in_dim3A_108 = vector.broadcast %broadcast_in_dim3A_107 : f32 to vector<16xf32>
    %broadcast_in_dim3A_109 = arith.constant 0.000000e+00 : f32
    %broadcast_in_dim3A_110 = vector.broadcast %broadcast_in_dim3A_109 : f32 to vector<16xf32>
    %scan3A_111 = arith.constant 0 : i32
    %scan3A_112 = arith.constant 8 : i32
    %scan3A_113 = arith.addi %scan3A_111, %scan3A_112 : i32
    %scan3A_114 = arith.constant 1 : i32
    %scan3A_115:4 = scf.for %scan3A_218 = %scan3A_111 to %scan3A_113 step %scan3A_114 iter_args(%scan3A_219 = %broadcast_in_dim3A_104, %scan3A_220 = %broadcast_in_dim3A_106, %scan3A_221 = %broadcast_in_dim3A_108, %scan3A_222 = %broadcast_in_dim3A_110) -> (vector<16xf32>, vector<16xf32>, vector<16xf32>, vector<16xf32>)  : i32 {
      %mul3A_223 = arith.constant 64 : i32
      %mul3A_224 = arith.muli %scan3A_218, %mul3A_223 : i32
      %add3A_225 = arith.constant 0 : i32
      %add3A_226 = arith.addi %mul3A_224, %add3A_225 : i32
      %get3A = arith.constant 3 : i32
      %get3A_227 = arith.index_cast %get3A : i32 to index
      %get3A_228 = arith.index_cast %add3A_226 : i32 to index
      %get3A_229 = tpu.vector_load %arg7[%get3A_227, %get3A_228] {strides = array<i32>} : memref<8x512xf32, #tpu.memory_space<vmem>>, vector<1x16xf32>,
      %get3A_230 = vector.shape_cast %get3A_229 : vector<1x16xf32> to vector<16xf32>
      %add3A_231 = arith.constant 0 : i32
      %add3A_232 = arith.addi %mul3A_224, %add3A_231 : i32
      %get3A_233 = arith.constant 3 : i32
      %get3A_234 = arith.index_cast %get3A_233 : i32 to index
      %get3A_235 = arith.index_cast %add3A_232 : i32 to index
      %get3A_236 = tpu.vector_load %arg8[%get3A_234, %get3A_235] {strides = array<i32>} : memref<8x512xf32, #tpu.memory_space<vmem>>, vector<1x16xf32>,
      %get3A_237 = vector.shape_cast %get3A_236 : vector<1x16xf32> to vector<16xf32>
      %mul3A_238 = arith.mulf %get3A_230, %get3A_237 : vector<16xf32>
      %add3A_239 = arith.addf %scan3A_219, %mul3A_238 : vector<16xf32>
      %add3A_240 = arith.constant 16 : i32
      %add3A_241 = arith.addi %mul3A_224, %add3A_240 : i32
      %get3A_242 = arith.constant 3 : i32
      %get3A_243 = arith.index_cast %get3A_242 : i32 to index
      %get3A_244 = arith.index_cast %add3A_241 : i32 to index
      %get3A_245 = tpu.vector_load %arg7[%get3A_243, %get3A_244] {strides = array<i32>} : memref<8x512xf32, #tpu.memory_space<vmem>>, vector<1x16xf32>,
      %get3A_246 = vector.shape_cast %get3A_245 : vector<1x16xf32> to vector<16xf32>
      %add3A_247 = arith.constant 16 : i32
      %add3A_248 = arith.addi %mul3A_224, %add3A_247 : i32
      %get3A_249 = arith.constant 3 : i32
      %get3A_250 = arith.index_cast %get3A_249 : i32 to index
      %get3A_251 = arith.index_cast %add3A_248 : i32 to index
      %get3A_252 = tpu.vector_load %arg8[%get3A_250, %get3A_251] {strides = array<i32>} : memref<8x512xf32, #tpu.memory_space<vmem>>, vector<1x16xf32>,
      %get3A_253 = vector.shape_cast %get3A_252 : vector<1x16xf32> to vector<16xf32>
      %mul3A_254 = arith.mulf %get3A_246, %get3A_253 : vector<16xf32>
      %add3A_255 = arith.addf %scan3A_220, %mul3A_254 : vector<16xf32>
      %add3A_256 = arith.constant 32 : i32
      %add3A_257 = arith.addi %mul3A_224, %add3A_256 : i32
      %get3A_258 = arith.constant 3 : i32
      %get3A_259 = arith.index_cast %get3A_258 : i32 to index
      %get3A_260 = arith.index_cast %add3A_257 : i32 to index
      %get3A_261 = tpu.vector_load %arg7[%get3A_259, %get3A_260] {strides = array<i32>} : memref<8x512xf32, #tpu.memory_space<vmem>>, vector<1x16xf32>,
      %get3A_262 = vector.shape_cast %get3A_261 : vector<1x16xf32> to vector<16xf32>
      %add3A_263 = arith.constant 32 : i32
      %add3A_264 = arith.addi %mul3A_224, %add3A_263 : i32
      %get3A_265 = arith.constant 3 : i32
      %get3A_266 = arith.index_cast %get3A_265 : i32 to index
      %get3A_267 = arith.index_cast %add3A_264 : i32 to index
      %get3A_268 = tpu.vector_load %arg8[%get3A_266, %get3A_267] {strides = array<i32>} : memref<8x512xf32, #tpu.memory_space<vmem>>, vector<1x16xf32>,
      %get3A_269 = vector.shape_cast %get3A_268 : vector<1x16xf32> to vector<16xf32>
      %mul3A_270 = arith.mulf %get3A_262, %get3A_269 : vector<16xf32>
      %add3A_271 = arith.addf %scan3A_221, %mul3A_270 : vector<16xf32>
      %add3A_272 = arith.constant 48 : i32
      %add3A_273 = arith.addi %mul3A_224, %add3A_272 : i32
      %get3A_274 = arith.constant 3 : i32
      %get3A_275 = arith.index_cast %get3A_274 : i32 to index
      %get3A_276 = arith.index_cast %add3A_273 : i32 to index
      %get3A_277 = tpu.vector_load %arg7[%get3A_275, %get3A_276] {strides = array<i32>} : memref<8x512xf32, #tpu.memory_space<vmem>>, vector<1x16xf32>,
      %get3A_278 = vector.shape_cast %get3A_277 : vector<1x16xf32> to vector<16xf32>
      %add3A_279 = arith.constant 48 : i32
      %add3A_280 = arith.addi %mul3A_224, %add3A_279 : i32
      %get3A_281 = arith.constant 3 : i32
      %get3A_282 = arith.index_cast %get3A_281 : i32 to index
      %get3A_283 = arith.index_cast %add3A_280 : i32 to index
      %get3A_284 = tpu.vector_load %arg8[%get3A_282, %get3A_283] {strides = array<i32>} : memref<8x512xf32, #tpu.memory_space<vmem>>, vector<1x16xf32>,
      %get3A_285 = vector.shape_cast %get3A_284 : vector<1x16xf32> to vector<16xf32>
      %mul3A_286 = arith.mulf %get3A_278, %get3A_285 : vector<16xf32>
      %add3A_287 = arith.addf %scan3A_222, %mul3A_286 : vector<16xf32>
      scf.yield %add3A_239, %add3A_255, %add3A_271, %add3A_287 : vector<16xf32>, vector<16xf32>, vector<16xf32>, vector<16xf32>
    }
    %scan3A_116 = arith.constant 8 : i32
    %add3A_117 = arith.addf %scan3A_115#0, %scan3A_115#1 : vector<16xf32>
    %add3A_118 = arith.addf %add3A_117, %scan3A_115#2 : vector<16xf32>
    %add3A_119 = arith.addf %add3A_118, %scan3A_115#3 : vector<16xf32>
    %swap3A_120 = arith.constant 3 : i32
    %swap3A_121 = arith.index_cast %swap3A_120 : i32 to index
    %swap3A_122 = arith.constant 0 : index
    %swap3A_123 = tpu.vector_load %arg9[%swap3A_121, %swap3A_122] {strides = array<i32>} : memref<8x16xf32, #tpu.memory_space<vmem>>, vector<1x16xf32>,
    %swap3A_124 = vector.shape_cast %swap3A_123 : vector<1x16xf32> to vector<16xf32>
    %swap3A_125 = vector.shape_cast %add3A_119 : vector<16xf32> to vector<1x16xf32>
    tpu.vector_store %arg9[%swap3A_121, %swap3A_122], %swap3A_125 {strides = array<i32>} : memref<8x16xf32, #tpu.memory_space<vmem>>, vector<1x16xf32>,
    %broadcast_in_dim3A_126 = arith.constant 0.000000e+00 : f32
    %broadcast_in_dim3A_127 = vector.broadcast %broadcast_in_dim3A_126 : f32 to vector<16xf32>
    %broadcast_in_dim3A_128 = arith.constant 0.000000e+00 : f32
    %broadcast_in_dim3A_129 = vector.broadcast %broadcast_in_dim3A_128 : f32 to vector<16xf32>
    %broadcast_in_dim3A_130 = arith.constant 0.000000e+00 : f32
    %broadcast_in_dim3A_131 = vector.broadcast %broadcast_in_dim3A_130 : f32 to vector<16xf32>
    %broadcast_in_dim3A_132 = arith.constant 0.000000e+00 : f32
    %broadcast_in_dim3A_133 = vector.broadcast %broadcast_in_dim3A_132 : f32 to vector<16xf32>
    %scan3A_134 = arith.constant 0 : i32
    %scan3A_135 = arith.constant 8 : i32
    %scan3A_136 = arith.addi %scan3A_134, %scan3A_135 : i32
    %scan3A_137 = arith.constant 1 : i32
    %scan3A_138:4 = scf.for %scan3A_218 = %scan3A_134 to %scan3A_136 step %scan3A_137 iter_args(%scan3A_219 = %broadcast_in_dim3A_127, %scan3A_220 = %broadcast_in_dim3A_129, %scan3A_221 = %broadcast_in_dim3A_131, %scan3A_222 = %broadcast_in_dim3A_133) -> (vector<16xf32>, vector<16xf32>, vector<16xf32>, vector<16xf32>)  : i32 {
      %mul3A_223 = arith.constant 64 : i32
      %mul3A_224 = arith.muli %scan3A_218, %mul3A_223 : i32
      %add3A_225 = arith.constant 0 : i32
      %add3A_226 = arith.addi %mul3A_224, %add3A_225 : i32
      %get3A = arith.constant 4 : i32
      %get3A_227 = arith.index_cast %get3A : i32 to index
      %get3A_228 = arith.index_cast %add3A_226 : i32 to index
      %get3A_229 = tpu.vector_load %arg7[%get3A_227, %get3A_228] {strides = array<i32>} : memref<8x512xf32, #tpu.memory_space<vmem>>, vector<1x16xf32>,
      %get3A_230 = vector.shape_cast %get3A_229 : vector<1x16xf32> to vector<16xf32>
      %add3A_231 = arith.constant 0 : i32
      %add3A_232 = arith.addi %mul3A_224, %add3A_231 : i32
      %get3A_233 = arith.constant 4 : i32
      %get3A_234 = arith.index_cast %get3A_233 : i32 to index
      %get3A_235 = arith.index_cast %add3A_232 : i32 to index
      %get3A_236 = tpu.vector_load %arg8[%get3A_234, %get3A_235] {strides = array<i32>} : memref<8x512xf32, #tpu.memory_space<vmem>>, vector<1x16xf32>,
      %get3A_237 = vector.shape_cast %get3A_236 : vector<1x16xf32> to vector<16xf32>
      %mul3A_238 = arith.mulf %get3A_230, %get3A_237 : vector<16xf32>
      %add3A_239 = arith.addf %scan3A_219, %mul3A_238 : vector<16xf32>
      %add3A_240 = arith.constant 16 : i32
      %add3A_241 = arith.addi %mul3A_224, %add3A_240 : i32
      %get3A_242 = arith.constant 4 : i32
      %get3A_243 = arith.index_cast %get3A_242 : i32 to index
      %get3A_244 = arith.index_cast %add3A_241 : i32 to index
      %get3A_245 = tpu.vector_load %arg7[%get3A_243, %get3A_244] {strides = array<i32>} : memref<8x512xf32, #tpu.memory_space<vmem>>, vector<1x16xf32>,
      %get3A_246 = vector.shape_cast %get3A_245 : vector<1x16xf32> to vector<16xf32>
      %add3A_247 = arith.constant 16 : i32
      %add3A_248 = arith.addi %mul3A_224, %add3A_247 : i32
      %get3A_249 = arith.constant 4 : i32
      %get3A_250 = arith.index_cast %get3A_249 : i32 to index
      %get3A_251 = arith.index_cast %add3A_248 : i32 to index
      %get3A_252 = tpu.vector_load %arg8[%get3A_250, %get3A_251] {strides = array<i32>} : memref<8x512xf32, #tpu.memory_space<vmem>>, vector<1x16xf32>,
      %get3A_253 = vector.shape_cast %get3A_252 : vector<1x16xf32> to vector<16xf32>
      %mul3A_254 = arith.mulf %get3A_246, %get3A_253 : vector<16xf32>
      %add3A_255 = arith.addf %scan3A_220, %mul3A_254 : vector<16xf32>
      %add3A_256 = arith.constant 32 : i32
      %add3A_257 = arith.addi %mul3A_224, %add3A_256 : i32
      %get3A_258 = arith.constant 4 : i32
      %get3A_259 = arith.index_cast %get3A_258 : i32 to index
      %get3A_260 = arith.index_cast %add3A_257 : i32 to index
      %get3A_261 = tpu.vector_load %arg7[%get3A_259, %get3A_260] {strides = array<i32>} : memref<8x512xf32, #tpu.memory_space<vmem>>, vector<1x16xf32>,
      %get3A_262 = vector.shape_cast %get3A_261 : vector<1x16xf32> to vector<16xf32>
      %add3A_263 = arith.constant 32 : i32
      %add3A_264 = arith.addi %mul3A_224, %add3A_263 : i32
      %get3A_265 = arith.constant 4 : i32
      %get3A_266 = arith.index_cast %get3A_265 : i32 to index
      %get3A_267 = arith.index_cast %add3A_264 : i32 to index
      %get3A_268 = tpu.vector_load %arg8[%get3A_266, %get3A_267] {strides = array<i32>} : memref<8x512xf32, #tpu.memory_space<vmem>>, vector<1x16xf32>,
      %get3A_269 = vector.shape_cast %get3A_268 : vector<1x16xf32> to vector<16xf32>
      %mul3A_270 = arith.mulf %get3A_262, %get3A_269 : vector<16xf32>
      %add3A_271 = arith.addf %scan3A_221, %mul3A_270 : vector<16xf32>
      %add3A_272 = arith.constant 48 : i32
      %add3A_273 = arith.addi %mul3A_224, %add3A_272 : i32
      %get3A_274 = arith.constant 4 : i32
      %get3A_275 = arith.index_cast %get3A_274 : i32 to index
      %get3A_276 = arith.index_cast %add3A_273 : i32 to index
      %get3A_277 = tpu.vector_load %arg7[%get3A_275, %get3A_276] {strides = array<i32>} : memref<8x512xf32, #tpu.memory_space<vmem>>, vector<1x16xf32>,
      %get3A_278 = vector.shape_cast %get3A_277 : vector<1x16xf32> to vector<16xf32>
      %add3A_279 = arith.constant 48 : i32
      %add3A_280 = arith.addi %mul3A_224, %add3A_279 : i32
      %get3A_281 = arith.constant 4 : i32
      %get3A_282 = arith.index_cast %get3A_281 : i32 to index
      %get3A_283 = arith.index_cast %add3A_280 : i32 to index
      %get3A_284 = tpu.vector_load %arg8[%get3A_282, %get3A_283] {strides = array<i32>} : memref<8x512xf32, #tpu.memory_space<vmem>>, vector<1x16xf32>,
      %get3A_285 = vector.shape_cast %get3A_284 : vector<1x16xf32> to vector<16xf32>
      %mul3A_286 = arith.mulf %get3A_278, %get3A_285 : vector<16xf32>
      %add3A_287 = arith.addf %scan3A_222, %mul3A_286 : vector<16xf32>
      scf.yield %add3A_239, %add3A_255, %add3A_271, %add3A_287 : vector<16xf32>, vector<16xf32>, vector<16xf32>, vector<16xf32>
    }
    %scan3A_139 = arith.constant 8 : i32
    %add3A_140 = arith.addf %scan3A_138#0, %scan3A_138#1 : vector<16xf32>
    %add3A_141 = arith.addf %add3A_140, %scan3A_138#2 : vector<16xf32>
    %add3A_142 = arith.addf %add3A_141, %scan3A_138#3 : vector<16xf32>
    %swap3A_143 = arith.constant 4 : i32
    %swap3A_144 = arith.index_cast %swap3A_143 : i32 to index
    %swap3A_145 = arith.constant 0 : index
    %swap3A_146 = tpu.vector_load %arg9[%swap3A_144, %swap3A_145] {strides = array<i32>} : memref<8x16xf32, #tpu.memory_space<vmem>>, vector<1x16xf32>,
    %swap3A_147 = vector.shape_cast %swap3A_146 : vector<1x16xf32> to vector<16xf32>
    %swap3A_148 = vector.shape_cast %add3A_142 : vector<16xf32> to vector<1x16xf32>
    tpu.vector_store %arg9[%swap3A_144, %swap3A_145], %swap3A_148 {strides = array<i32>} : memref<8x16xf32, #tpu.memory_space<vmem>>, vector<1x16xf32>,
    %broadcast_in_dim3A_149 = arith.constant 0.000000e+00 : f32
    %broadcast_in_dim3A_150 = vector.broadcast %broadcast_in_dim3A_149 : f32 to vector<16xf32>
    %broadcast_in_dim3A_151 = arith.constant 0.000000e+00 : f32
    %broadcast_in_dim3A_152 = vector.broadcast %broadcast_in_dim3A_151 : f32 to vector<16xf32>
    %broadcast_in_dim3A_153 = arith.constant 0.000000e+00 : f32
    %broadcast_in_dim3A_154 = vector.broadcast %broadcast_in_dim3A_153 : f32 to vector<16xf32>
    %broadcast_in_dim3A_155 = arith.constant 0.000000e+00 : f32
    %broadcast_in_dim3A_156 = vector.broadcast %broadcast_in_dim3A_155 : f32 to vector<16xf32>
    %scan3A_157 = arith.constant 0 : i32
    %scan3A_158 = arith.constant 8 : i32
    %scan3A_159 = arith.addi %scan3A_157, %scan3A_158 : i32
    %scan3A_160 = arith.constant 1 : i32
    %scan3A_161:4 = scf.for %scan3A_218 = %scan3A_157 to %scan3A_159 step %scan3A_160 iter_args(%scan3A_219 = %broadcast_in_dim3A_150, %scan3A_220 = %broadcast_in_dim3A_152, %scan3A_221 = %broadcast_in_dim3A_154, %scan3A_222 = %broadcast_in_dim3A_156) -> (vector<16xf32>, vector<16xf32>, vector<16xf32>, vector<16xf32>)  : i32 {
      %mul3A_223 = arith.constant 64 : i32
      %mul3A_224 = arith.muli %scan3A_218, %mul3A_223 : i32
      %add3A_225 = arith.constant 0 : i32
      %add3A_226 = arith.addi %mul3A_224, %add3A_225 : i32
      %get3A = arith.constant 5 : i32
      %get3A_227 = arith.index_cast %get3A : i32 to index
      %get3A_228 = arith.index_cast %add3A_226 : i32 to index
      %get3A_229 = tpu.vector_load %arg7[%get3A_227, %get3A_228] {strides = array<i32>} : memref<8x512xf32, #tpu.memory_space<vmem>>, vector<1x16xf32>,
      %get3A_230 = vector.shape_cast %get3A_229 : vector<1x16xf32> to vector<16xf32>
      %add3A_231 = arith.constant 0 : i32
      %add3A_232 = arith.addi %mul3A_224, %add3A_231 : i32
      %get3A_233 = arith.constant 5 : i32
      %get3A_234 = arith.index_cast %get3A_233 : i32 to index
      %get3A_235 = arith.index_cast %add3A_232 : i32 to index
      %get3A_236 = tpu.vector_load %arg8[%get3A_234, %get3A_235] {strides = array<i32>} : memref<8x512xf32, #tpu.memory_space<vmem>>, vector<1x16xf32>,
      %get3A_237 = vector.shape_cast %get3A_236 : vector<1x16xf32> to vector<16xf32>
      %mul3A_238 = arith.mulf %get3A_230, %get3A_237 : vector<16xf32>
      %add3A_239 = arith.addf %scan3A_219, %mul3A_238 : vector<16xf32>
      %add3A_240 = arith.constant 16 : i32
      %add3A_241 = arith.addi %mul3A_224, %add3A_240 : i32
      %get3A_242 = arith.constant 5 : i32
      %get3A_243 = arith.index_cast %get3A_242 : i32 to index
      %get3A_244 = arith.index_cast %add3A_241 : i32 to index
      %get3A_245 = tpu.vector_load %arg7[%get3A_243, %get3A_244] {strides = array<i32>} : memref<8x512xf32, #tpu.memory_space<vmem>>, vector<1x16xf32>,
      %get3A_246 = vector.shape_cast %get3A_245 : vector<1x16xf32> to vector<16xf32>
      %add3A_247 = arith.constant 16 : i32
      %add3A_248 = arith.addi %mul3A_224, %add3A_247 : i32
      %get3A_249 = arith.constant 5 : i32
      %get3A_250 = arith.index_cast %get3A_249 : i32 to index
      %get3A_251 = arith.index_cast %add3A_248 : i32 to index
      %get3A_252 = tpu.vector_load %arg8[%get3A_250, %get3A_251] {strides = array<i32>} : memref<8x512xf32, #tpu.memory_space<vmem>>, vector<1x16xf32>,
      %get3A_253 = vector.shape_cast %get3A_252 : vector<1x16xf32> to vector<16xf32>
      %mul3A_254 = arith.mulf %get3A_246, %get3A_253 : vector<16xf32>
      %add3A_255 = arith.addf %scan3A_220, %mul3A_254 : vector<16xf32>
      %add3A_256 = arith.constant 32 : i32
      %add3A_257 = arith.addi %mul3A_224, %add3A_256 : i32
      %get3A_258 = arith.constant 5 : i32
      %get3A_259 = arith.index_cast %get3A_258 : i32 to index
      %get3A_260 = arith.index_cast %add3A_257 : i32 to index
      %get3A_261 = tpu.vector_load %arg7[%get3A_259, %get3A_260] {strides = array<i32>} : memref<8x512xf32, #tpu.memory_space<vmem>>, vector<1x16xf32>,
      %get3A_262 = vector.shape_cast %get3A_261 : vector<1x16xf32> to vector<16xf32>
      %add3A_263 = arith.constant 32 : i32
      %add3A_264 = arith.addi %mul3A_224, %add3A_263 : i32
      %get3A_265 = arith.constant 5 : i32
      %get3A_266 = arith.index_cast %get3A_265 : i32 to index
      %get3A_267 = arith.index_cast %add3A_264 : i32 to index
      %get3A_268 = tpu.vector_load %arg8[%get3A_266, %get3A_267] {strides = array<i32>} : memref<8x512xf32, #tpu.memory_space<vmem>>, vector<1x16xf32>,
      %get3A_269 = vector.shape_cast %get3A_268 : vector<1x16xf32> to vector<16xf32>
      %mul3A_270 = arith.mulf %get3A_262, %get3A_269 : vector<16xf32>
      %add3A_271 = arith.addf %scan3A_221, %mul3A_270 : vector<16xf32>
      %add3A_272 = arith.constant 48 : i32
      %add3A_273 = arith.addi %mul3A_224, %add3A_272 : i32
      %get3A_274 = arith.constant 5 : i32
      %get3A_275 = arith.index_cast %get3A_274 : i32 to index
      %get3A_276 = arith.index_cast %add3A_273 : i32 to index
      %get3A_277 = tpu.vector_load %arg7[%get3A_275, %get3A_276] {strides = array<i32>} : memref<8x512xf32, #tpu.memory_space<vmem>>, vector<1x16xf32>,
      %get3A_278 = vector.shape_cast %get3A_277 : vector<1x16xf32> to vector<16xf32>
      %add3A_279 = arith.constant 48 : i32
      %add3A_280 = arith.addi %mul3A_224, %add3A_279 : i32
      %get3A_281 = arith.constant 5 : i32
      %get3A_282 = arith.index_cast %get3A_281 : i32 to index
      %get3A_283 = arith.index_cast %add3A_280 : i32 to index
      %get3A_284 = tpu.vector_load %arg8[%get3A_282, %get3A_283] {strides = array<i32>} : memref<8x512xf32, #tpu.memory_space<vmem>>, vector<1x16xf32>,
      %get3A_285 = vector.shape_cast %get3A_284 : vector<1x16xf32> to vector<16xf32>
      %mul3A_286 = arith.mulf %get3A_278, %get3A_285 : vector<16xf32>
      %add3A_287 = arith.addf %scan3A_222, %mul3A_286 : vector<16xf32>
      scf.yield %add3A_239, %add3A_255, %add3A_271, %add3A_287 : vector<16xf32>, vector<16xf32>, vector<16xf32>, vector<16xf32>
    }
    %scan3A_162 = arith.constant 8 : i32
    %add3A_163 = arith.addf %scan3A_161#0, %scan3A_161#1 : vector<16xf32>
    %add3A_164 = arith.addf %add3A_163, %scan3A_161#2 : vector<16xf32>
    %add3A_165 = arith.addf %add3A_164, %scan3A_161#3 : vector<16xf32>
    %swap3A_166 = arith.constant 5 : i32
    %swap3A_167 = arith.index_cast %swap3A_166 : i32 to index
    %swap3A_168 = arith.constant 0 : index
    %swap3A_169 = tpu.vector_load %arg9[%swap3A_167, %swap3A_168] {strides = array<i32>} : memref<8x16xf32, #tpu.memory_space<vmem>>, vector<1x16xf32>,
    %swap3A_170 = vector.shape_cast %swap3A_169 : vector<1x16xf32> to vector<16xf32>
    %swap3A_171 = vector.shape_cast %add3A_165 : vector<16xf32> to vector<1x16xf32>
    tpu.vector_store %arg9[%swap3A_167, %swap3A_168], %swap3A_171 {strides = array<i32>} : memref<8x16xf32, #tpu.memory_space<vmem>>, vector<1x16xf32>,
    %broadcast_in_dim3A_172 = arith.constant 0.000000e+00 : f32
    %broadcast_in_dim3A_173 = vector.broadcast %broadcast_in_dim3A_172 : f32 to vector<16xf32>
    %broadcast_in_dim3A_174 = arith.constant 0.000000e+00 : f32
    %broadcast_in_dim3A_175 = vector.broadcast %broadcast_in_dim3A_174 : f32 to vector<16xf32>
    %broadcast_in_dim3A_176 = arith.constant 0.000000e+00 : f32
    %broadcast_in_dim3A_177 = vector.broadcast %broadcast_in_dim3A_176 : f32 to vector<16xf32>
    %broadcast_in_dim3A_178 = arith.constant 0.000000e+00 : f32
    %broadcast_in_dim3A_179 = vector.broadcast %broadcast_in_dim3A_178 : f32 to vector<16xf32>
    %scan3A_180 = arith.constant 0 : i32
    %scan3A_181 = arith.constant 8 : i32
    %scan3A_182 = arith.addi %scan3A_180, %scan3A_181 : i32
    %scan3A_183 = arith.constant 1 : i32
    %scan3A_184:4 = scf.for %scan3A_218 = %scan3A_180 to %scan3A_182 step %scan3A_183 iter_args(%scan3A_219 = %broadcast_in_dim3A_173, %scan3A_220 = %broadcast_in_dim3A_175, %scan3A_221 = %broadcast_in_dim3A_177, %scan3A_222 = %broadcast_in_dim3A_179) -> (vector<16xf32>, vector<16xf32>, vector<16xf32>, vector<16xf32>)  : i32 {
      %mul3A_223 = arith.constant 64 : i32
      %mul3A_224 = arith.muli %scan3A_218, %mul3A_223 : i32
      %add3A_225 = arith.constant 0 : i32
      %add3A_226 = arith.addi %mul3A_224, %add3A_225 : i32
      %get3A = arith.constant 6 : i32
      %get3A_227 = arith.index_cast %get3A : i32 to index
      %get3A_228 = arith.index_cast %add3A_226 : i32 to index
      %get3A_229 = tpu.vector_load %arg7[%get3A_227, %get3A_228] {strides = array<i32>} : memref<8x512xf32, #tpu.memory_space<vmem>>, vector<1x16xf32>,
      %get3A_230 = vector.shape_cast %get3A_229 : vector<1x16xf32> to vector<16xf32>
      %add3A_231 = arith.constant 0 : i32
      %add3A_232 = arith.addi %mul3A_224, %add3A_231 : i32
      %get3A_233 = arith.constant 6 : i32
      %get3A_234 = arith.index_cast %get3A_233 : i32 to index
      %get3A_235 = arith.index_cast %add3A_232 : i32 to index
      %get3A_236 = tpu.vector_load %arg8[%get3A_234, %get3A_235] {strides = array<i32>} : memref<8x512xf32, #tpu.memory_space<vmem>>, vector<1x16xf32>,
      %get3A_237 = vector.shape_cast %get3A_236 : vector<1x16xf32> to vector<16xf32>
      %mul3A_238 = arith.mulf %get3A_230, %get3A_237 : vector<16xf32>
      %add3A_239 = arith.addf %scan3A_219, %mul3A_238 : vector<16xf32>
      %add3A_240 = arith.constant 16 : i32
      %add3A_241 = arith.addi %mul3A_224, %add3A_240 : i32
      %get3A_242 = arith.constant 6 : i32
      %get3A_243 = arith.index_cast %get3A_242 : i32 to index
      %get3A_244 = arith.index_cast %add3A_241 : i32 to index
      %get3A_245 = tpu.vector_load %arg7[%get3A_243, %get3A_244] {strides = array<i32>} : memref<8x512xf32, #tpu.memory_space<vmem>>, vector<1x16xf32>,
      %get3A_246 = vector.shape_cast %get3A_245 : vector<1x16xf32> to vector<16xf32>
      %add3A_247 = arith.constant 16 : i32
      %add3A_248 = arith.addi %mul3A_224, %add3A_247 : i32
      %get3A_249 = arith.constant 6 : i32
      %get3A_250 = arith.index_cast %get3A_249 : i32 to index
      %get3A_251 = arith.index_cast %add3A_248 : i32 to index
      %get3A_252 = tpu.vector_load %arg8[%get3A_250, %get3A_251] {strides = array<i32>} : memref<8x512xf32, #tpu.memory_space<vmem>>, vector<1x16xf32>,
      %get3A_253 = vector.shape_cast %get3A_252 : vector<1x16xf32> to vector<16xf32>
      %mul3A_254 = arith.mulf %get3A_246, %get3A_253 : vector<16xf32>
      %add3A_255 = arith.addf %scan3A_220, %mul3A_254 : vector<16xf32>
      %add3A_256 = arith.constant 32 : i32
      %add3A_257 = arith.addi %mul3A_224, %add3A_256 : i32
      %get3A_258 = arith.constant 6 : i32
      %get3A_259 = arith.index_cast %get3A_258 : i32 to index
      %get3A_260 = arith.index_cast %add3A_257 : i32 to index
      %get3A_261 = tpu.vector_load %arg7[%get3A_259, %get3A_260] {strides = array<i32>} : memref<8x512xf32, #tpu.memory_space<vmem>>, vector<1x16xf32>,
      %get3A_262 = vector.shape_cast %get3A_261 : vector<1x16xf32> to vector<16xf32>
      %add3A_263 = arith.constant 32 : i32
      %add3A_264 = arith.addi %mul3A_224, %add3A_263 : i32
      %get3A_265 = arith.constant 6 : i32
      %get3A_266 = arith.index_cast %get3A_265 : i32 to index
      %get3A_267 = arith.index_cast %add3A_264 : i32 to index
      %get3A_268 = tpu.vector_load %arg8[%get3A_266, %get3A_267] {strides = array<i32>} : memref<8x512xf32, #tpu.memory_space<vmem>>, vector<1x16xf32>,
      %get3A_269 = vector.shape_cast %get3A_268 : vector<1x16xf32> to vector<16xf32>
      %mul3A_270 = arith.mulf %get3A_262, %get3A_269 : vector<16xf32>
      %add3A_271 = arith.addf %scan3A_221, %mul3A_270 : vector<16xf32>
      %add3A_272 = arith.constant 48 : i32
      %add3A_273 = arith.addi %mul3A_224, %add3A_272 : i32
      %get3A_274 = arith.constant 6 : i32
      %get3A_275 = arith.index_cast %get3A_274 : i32 to index
      %get3A_276 = arith.index_cast %add3A_273 : i32 to index
      %get3A_277 = tpu.vector_load %arg7[%get3A_275, %get3A_276] {strides = array<i32>} : memref<8x512xf32, #tpu.memory_space<vmem>>, vector<1x16xf32>,
      %get3A_278 = vector.shape_cast %get3A_277 : vector<1x16xf32> to vector<16xf32>
      %add3A_279 = arith.constant 48 : i32
      %add3A_280 = arith.addi %mul3A_224, %add3A_279 : i32
      %get3A_281 = arith.constant 6 : i32
      %get3A_282 = arith.index_cast %get3A_281 : i32 to index
      %get3A_283 = arith.index_cast %add3A_280 : i32 to index
      %get3A_284 = tpu.vector_load %arg8[%get3A_282, %get3A_283] {strides = array<i32>} : memref<8x512xf32, #tpu.memory_space<vmem>>, vector<1x16xf32>,
      %get3A_285 = vector.shape_cast %get3A_284 : vector<1x16xf32> to vector<16xf32>
      %mul3A_286 = arith.mulf %get3A_278, %get3A_285 : vector<16xf32>
      %add3A_287 = arith.addf %scan3A_222, %mul3A_286 : vector<16xf32>
      scf.yield %add3A_239, %add3A_255, %add3A_271, %add3A_287 : vector<16xf32>, vector<16xf32>, vector<16xf32>, vector<16xf32>
    }
    %scan3A_185 = arith.constant 8 : i32
    %add3A_186 = arith.addf %scan3A_184#0, %scan3A_184#1 : vector<16xf32>
    %add3A_187 = arith.addf %add3A_186, %scan3A_184#2 : vector<16xf32>
    %add3A_188 = arith.addf %add3A_187, %scan3A_184#3 : vector<16xf32>
    %swap3A_189 = arith.constant 6 : i32
    %swap3A_190 = arith.index_cast %swap3A_189 : i32 to index
    %swap3A_191 = arith.constant 0 : index
    %swap3A_192 = tpu.vector_load %arg9[%swap3A_190, %swap3A_191] {strides = array<i32>} : memref<8x16xf32, #tpu.memory_space<vmem>>, vector<1x16xf32>,
    %swap3A_193 = vector.shape_cast %swap3A_192 : vector<1x16xf32> to vector<16xf32>
    %swap3A_194 = vector.shape_cast %add3A_188 : vector<16xf32> to vector<1x16xf32>
    tpu.vector_store %arg9[%swap3A_190, %swap3A_191], %swap3A_194 {strides = array<i32>} : memref<8x16xf32, #tpu.memory_space<vmem>>, vector<1x16xf32>,
    %broadcast_in_dim3A_195 = arith.constant 0.000000e+00 : f32
    %broadcast_in_dim3A_196 = vector.broadcast %broadcast_in_dim3A_195 : f32 to vector<16xf32>
    %broadcast_in_dim3A_197 = arith.constant 0.000000e+00 : f32
    %broadcast_in_dim3A_198 = vector.broadcast %broadcast_in_dim3A_197 : f32 to vector<16xf32>
    %broadcast_in_dim3A_199 = arith.constant 0.000000e+00 : f32
    %broadcast_in_dim3A_200 = vector.broadcast %broadcast_in_dim3A_199 : f32 to vector<16xf32>
    %broadcast_in_dim3A_201 = arith.constant 0.000000e+00 : f32
    %broadcast_in_dim3A_202 = vector.broadcast %broadcast_in_dim3A_201 : f32 to vector<16xf32>
    %scan3A_203 = arith.constant 0 : i32
    %scan3A_204 = arith.constant 8 : i32
    %scan3A_205 = arith.addi %scan3A_203, %scan3A_204 : i32
    %scan3A_206 = arith.constant 1 : i32
    %scan3A_207:4 = scf.for %scan3A_218 = %scan3A_203 to %scan3A_205 step %scan3A_206 iter_args(%scan3A_219 = %broadcast_in_dim3A_196, %scan3A_220 = %broadcast_in_dim3A_198, %scan3A_221 = %broadcast_in_dim3A_200, %scan3A_222 = %broadcast_in_dim3A_202) -> (vector<16xf32>, vector<16xf32>, vector<16xf32>, vector<16xf32>)  : i32 {
      %mul3A_223 = arith.constant 64 : i32
      %mul3A_224 = arith.muli %scan3A_218, %mul3A_223 : i32
      %add3A_225 = arith.constant 0 : i32
      %add3A_226 = arith.addi %mul3A_224, %add3A_225 : i32
      %get3A = arith.constant 7 : i32
      %get3A_227 = arith.index_cast %get3A : i32 to index
      %get3A_228 = arith.index_cast %add3A_226 : i32 to index
      %get3A_229 = tpu.vector_load %arg7[%get3A_227, %get3A_228] {strides = array<i32>} : memref<8x512xf32, #tpu.memory_space<vmem>>, vector<1x16xf32>,
      %get3A_230 = vector.shape_cast %get3A_229 : vector<1x16xf32> to vector<16xf32>
      %add3A_231 = arith.constant 0 : i32
      %add3A_232 = arith.addi %mul3A_224, %add3A_231 : i32
      %get3A_233 = arith.constant 7 : i32
      %get3A_234 = arith.index_cast %get3A_233 : i32 to index
      %get3A_235 = arith.index_cast %add3A_232 : i32 to index
      %get3A_236 = tpu.vector_load %arg8[%get3A_234, %get3A_235] {strides = array<i32>} : memref<8x512xf32, #tpu.memory_space<vmem>>, vector<1x16xf32>,
      %get3A_237 = vector.shape_cast %get3A_236 : vector<1x16xf32> to vector<16xf32>
      %mul3A_238 = arith.mulf %get3A_230, %get3A_237 : vector<16xf32>
      %add3A_239 = arith.addf %scan3A_219, %mul3A_238 : vector<16xf32>
      %add3A_240 = arith.constant 16 : i32
      %add3A_241 = arith.addi %mul3A_224, %add3A_240 : i32
      %get3A_242 = arith.constant 7 : i32
      %get3A_243 = arith.index_cast %get3A_242 : i32 to index
      %get3A_244 = arith.index_cast %add3A_241 : i32 to index
      %get3A_245 = tpu.vector_load %arg7[%get3A_243, %get3A_244] {strides = array<i32>} : memref<8x512xf32, #tpu.memory_space<vmem>>, vector<1x16xf32>,
      %get3A_246 = vector.shape_cast %get3A_245 : vector<1x16xf32> to vector<16xf32>
      %add3A_247 = arith.constant 16 : i32
      %add3A_248 = arith.addi %mul3A_224, %add3A_247 : i32
      %get3A_249 = arith.constant 7 : i32
      %get3A_250 = arith.index_cast %get3A_249 : i32 to index
      %get3A_251 = arith.index_cast %add3A_248 : i32 to index
      %get3A_252 = tpu.vector_load %arg8[%get3A_250, %get3A_251] {strides = array<i32>} : memref<8x512xf32, #tpu.memory_space<vmem>>, vector<1x16xf32>,
      %get3A_253 = vector.shape_cast %get3A_252 : vector<1x16xf32> to vector<16xf32>
      %mul3A_254 = arith.mulf %get3A_246, %get3A_253 : vector<16xf32>
      %add3A_255 = arith.addf %scan3A_220, %mul3A_254 : vector<16xf32>
      %add3A_256 = arith.constant 32 : i32
      %add3A_257 = arith.addi %mul3A_224, %add3A_256 : i32
      %get3A_258 = arith.constant 7 : i32
      %get3A_259 = arith.index_cast %get3A_258 : i32 to index
      %get3A_260 = arith.index_cast %add3A_257 : i32 to index
      %get3A_261 = tpu.vector_load %arg7[%get3A_259, %get3A_260] {strides = array<i32>} : memref<8x512xf32, #tpu.memory_space<vmem>>, vector<1x16xf32>,
      %get3A_262 = vector.shape_cast %get3A_261 : vector<1x16xf32> to vector<16xf32>
      %add3A_263 = arith.constant 32 : i32
      %add3A_264 = arith.addi %mul3A_224, %add3A_263 : i32
      %get3A_265 = arith.constant 7 : i32
      %get3A_266 = arith.index_cast %get3A_265 : i32 to index
      %get3A_267 = arith.index_cast %add3A_264 : i32 to index
      %get3A_268 = tpu.vector_load %arg8[%get3A_266, %get3A_267] {strides = array<i32>} : memref<8x512xf32, #tpu.memory_space<vmem>>, vector<1x16xf32>,
      %get3A_269 = vector.shape_cast %get3A_268 : vector<1x16xf32> to vector<16xf32>
      %mul3A_270 = arith.mulf %get3A_262, %get3A_269 : vector<16xf32>
      %add3A_271 = arith.addf %scan3A_221, %mul3A_270 : vector<16xf32>
      %add3A_272 = arith.constant 48 : i32
      %add3A_273 = arith.addi %mul3A_224, %add3A_272 : i32
      %get3A_274 = arith.constant 7 : i32
      %get3A_275 = arith.index_cast %get3A_274 : i32 to index
      %get3A_276 = arith.index_cast %add3A_273 : i32 to index
      %get3A_277 = tpu.vector_load %arg7[%get3A_275, %get3A_276] {strides = array<i32>} : memref<8x512xf32, #tpu.memory_space<vmem>>, vector<1x16xf32>,
      %get3A_278 = vector.shape_cast %get3A_277 : vector<1x16xf32> to vector<16xf32>
      %add3A_279 = arith.constant 48 : i32
      %add3A_280 = arith.addi %mul3A_224, %add3A_279 : i32
      %get3A_281 = arith.constant 7 : i32
      %get3A_282 = arith.index_cast %get3A_281 : i32 to index
      %get3A_283 = arith.index_cast %add3A_280 : i32 to index
      %get3A_284 = tpu.vector_load %arg8[%get3A_282, %get3A_283] {strides = array<i32>} : memref<8x512xf32, #tpu.memory_space<vmem>>, vector<1x16xf32>,
      %get3A_285 = vector.shape_cast %get3A_284 : vector<1x16xf32> to vector<16xf32>
      %mul3A_286 = arith.mulf %get3A_278, %get3A_285 : vector<16xf32>
      %add3A_287 = arith.addf %scan3A_222, %mul3A_286 : vector<16xf32>
      scf.yield %add3A_239, %add3A_255, %add3A_271, %add3A_287 : vector<16xf32>, vector<16xf32>, vector<16xf32>, vector<16xf32>
    }
    %scan3A_208 = arith.constant 8 : i32
    %add3A_209 = arith.addf %scan3A_207#0, %scan3A_207#1 : vector<16xf32>
    %add3A_210 = arith.addf %add3A_209, %scan3A_207#2 : vector<16xf32>
    %add3A_211 = arith.addf %add3A_210, %scan3A_207#3 : vector<16xf32>
    %swap3A_212 = arith.constant 7 : i32
    %swap3A_213 = arith.index_cast %swap3A_212 : i32 to index
    %swap3A_214 = arith.constant 0 : index
    %swap3A_215 = tpu.vector_load %arg9[%swap3A_213, %swap3A_214] {strides = array<i32>} : memref<8x16xf32, #tpu.memory_space<vmem>>, vector<1x16xf32>,
    %swap3A_216 = vector.shape_cast %swap3A_215 : vector<1x16xf32> to vector<16xf32>
    %swap3A_217 = vector.shape_cast %add3A_211 : vector<16xf32> to vector<1x16xf32>
    tpu.vector_store %arg9[%swap3A_213, %swap3A_214], %swap3A_217 {strides = array<i32>} : memref<8x16xf32, #tpu.memory_space<vmem>>, vector<1x16xf32>,
    "tpu.region"() ({
      %run_scoped3A = tpu.sem_alloc : memref<!tpu.dma_semaphore, #tpu.memory_space<semaphore_mem>>
      %dma_start3A_218 = arith.constant 0 : i32
      %dma_start3A_219 = arith.constant 0 : i32
      %dma_start3A_220 = tpu.memref_slice %arg5[%select_n3A, %select_n3A_30, %dma_start3A_218, %dma_start3A_219] : memref<8x4x8x16xf32, #tpu.memory_space<hbm>> -> memref<1x1x8x16xf32, #tpu.memory_space<hbm>>
      %dma_start3A_221 = tpu.memref_squeeze %dma_start3A_220 : memref<1x1x8x16xf32, #tpu.memory_space<hbm>> -> memref<8x16xf32, #tpu.memory_space<hbm>>
      %dma_start3A_222 = arith.constant 0 : i32
      %dma_start3A_223 = arith.constant 0 : i32
      %dma_start3A_224 = tpu.memref_slice %arg5[%select_n3A, %select_n3A_30, %dma_start3A_222, %dma_start3A_223] : memref<8x4x8x16xf32, #tpu.memory_space<hbm>> -> memref<1x1x8x16xf32, #tpu.memory_space<hbm>>
      %dma_start3A_225 = tpu.memref_squeeze %dma_start3A_224 : memref<1x1x8x16xf32, #tpu.memory_space<hbm>> -> memref<8x16xf32, #tpu.memory_space<hbm>>
      tpu.enqueue_dma source(%arg9 : memref<8x16xf32, #tpu.memory_space<vmem>>) target(%dma_start3A_225 : memref<8x16xf32, #tpu.memory_space<hbm>>) target_semaphore(%run_scoped3A : memref<!tpu.dma_semaphore, #tpu.memory_space<semaphore_mem>>)
      %dma_wait3A_226 = arith.constant 0 : i32
      %dma_wait3A_227 = arith.constant 0 : i32
      %dma_wait3A_228 = tpu.memref_slice %arg5[%select_n3A, %select_n3A_30, %dma_wait3A_226, %dma_wait3A_227] : memref<8x4x8x16xf32, #tpu.memory_space<hbm>> -> memref<1x1x8x16xf32, #tpu.memory_space<hbm>>
      %dma_wait3A_229 = tpu.memref_squeeze %dma_wait3A_228 : memref<1x1x8x16xf32, #tpu.memory_space<hbm>> -> memref<8x16xf32, #tpu.memory_space<hbm>>
      %dma_wait3A_230 = arith.constant 0 : i32
      %dma_wait3A_231 = arith.constant 0 : i32
      %dma_wait3A_232 = tpu.memref_slice %arg5[%select_n3A, %select_n3A_30, %dma_wait3A_230, %dma_wait3A_231] : memref<8x4x8x16xf32, #tpu.memory_space<hbm>> -> memref<1x1x8x16xf32, #tpu.memory_space<hbm>>
      %dma_wait3A_233 = tpu.memref_squeeze %dma_wait3A_232 : memref<1x1x8x16xf32, #tpu.memory_space<hbm>> -> memref<8x16xf32, #tpu.memory_space<hbm>>
      tpu.wait_dma2 semaphore(%run_scoped3A : memref<!tpu.dma_semaphore, #tpu.memory_space<semaphore_mem>>) src(%arg9 : memref<8x16xf32, #tpu.memory_space<vmem>>) dst(%dma_wait3A_233 : memref<8x16xf32, #tpu.memory_space<hbm>>)
      tpu.yield
    }) : () -> ()
    return
  }
}

module attributes {stable_mosaic.version = 14 : i64} {
  func.func @_lse_body(%arg0: i32, %arg1: memref<64x2048xf32, #tpu.memory_space<vmem>>, %arg2: memref<1160x2048xf32, #tpu.memory_space<vmem>>, %arg3: memref<1x1xf32, #tpu.memory_space<smem>>, %arg4: memref<64x1xf32, #tpu.memory_space<vmem>>, %arg5: memref<64x1xf32, #tpu.memory_space<vmem>>) attributes {dimension_semantics = [#tpu.dimension_semantics<arbitrary>], iteration_bounds = array<i64: 13>, scalar_prefetch = 0 : i64, scratch_operands = 2 : i64, tpu.core_type = #tpu.core_type<tc>, window_params = [{pipeline_mode = #tpu.pipeline_mode<synchronous>, transform_indices = @transform_0, window_bounds = array<i64: 64, 2048>}, {transform_indices = @transform_1, window_bounds = array<i64: 1160, 2048>}, {transform_indices = @transform_2, window_bounds = array<i64: 1, 1>}]} {
    %eq3A = arith.constant 0 : i32
    %eq3A_0 = arith.cmpi eq, %arg0, %eq3A : i32
    %convert_element_type3A = arith.extui %eq3A_0 : i1 to i32
    %cond3A = arith.constant 0 : i32
    %cond3A_1 = arith.cmpi ne, %convert_element_type3A, %cond3A : i32
    scf.if %cond3A_1 {
      %broadcast_in_dim3A_30 = arith.constant 0xFF800000 : f32
      %broadcast_in_dim3A_31 = vector.broadcast %broadcast_in_dim3A_30 : f32 to vector<64x1xf32>
      %swap3A_32 = arith.constant 0 : index
      %swap3A_33 = arith.constant 0 : index
      %swap3A_34 = vector.load %arg4[%swap3A_32, %swap3A_33] : memref<64x1xf32, #tpu.memory_space<vmem>>, vector<64x1xf32>
      tpu.vector_store %arg4[%swap3A_32, %swap3A_33], %broadcast_in_dim3A_31 {strides = array<i32>} : memref<64x1xf32, #tpu.memory_space<vmem>>, vector<64x1xf32>,
      %broadcast_in_dim3A_35 = arith.constant 0.000000e+00 : f32
      %broadcast_in_dim3A_36 = vector.broadcast %broadcast_in_dim3A_35 : f32 to vector<64x1xf32>
      %swap3A_37 = arith.constant 0 : index
      %swap3A_38 = arith.constant 0 : index
      %swap3A_39 = vector.load %arg5[%swap3A_37, %swap3A_38] : memref<64x1xf32, #tpu.memory_space<vmem>>, vector<64x1xf32>
      tpu.vector_store %arg5[%swap3A_37, %swap3A_38], %broadcast_in_dim3A_36 {strides = array<i32>} : memref<64x1xf32, #tpu.memory_space<vmem>>, vector<64x1xf32>,
    } else {
    }
    %get3A = arith.constant 0 : index
    %get3A_2 = arith.constant 0 : index
    %get3A_3 = vector.load %arg1[%get3A, %get3A_2] : memref<64x2048xf32, #tpu.memory_space<vmem>>, vector<64x2048xf32>
    %get3A_4 = arith.constant 0 : index
    %get3A_5 = arith.constant 0 : index
    %get3A_6 = vector.load %arg2[%get3A_4, %get3A_5] : memref<1160x2048xf32, #tpu.memory_space<vmem>>, vector<1160x2048xf32>
    %dot_general3A = arith.constant dense<0.000000e+00> : vector<64x1160xf32>
    %dot_general3A_7 = tpu.matmul %get3A_3, %get3A_6, %dot_general3A {dimension_numbers = #tpu.dot_dimension_numbers<[1], [1], [0], [0], [0, 0, 1, 0], [], []>, transpose_lhs_hint = false} : vector<64x2048xf32>, vector<1160x2048xf32>, vector<64x1160xf32> -> vector<64x1160xf32>
    %get3A_8 = arith.constant 0 : index
    %get3A_9 = arith.constant 0 : index
    %get3A_10 = vector.load %arg4[%get3A_8, %get3A_9] : memref<64x1xf32, #tpu.memory_space<vmem>>, vector<64x1xf32>
    %reduce_max3A = arith.constant dense<0xFF800000> : vector<64xf32>
    %reduce_max3A_11 = vector.multi_reduction <maximumf>, %dot_general3A_7, %reduce_max3A [1] : vector<64x1160xf32> to vector<64xf32>
    %broadcast_in_dim3A = vector.shape_cast %reduce_max3A_11 : vector<64xf32> to vector<64x1xf32>
    %max3A = arith.maximumf %get3A_10, %broadcast_in_dim3A : vector<64x1xf32>
    %sub3A = vector.broadcast %max3A : vector<64x1xf32> to vector<64x1160xf32>
    %sub3A_12 = arith.subf %dot_general3A_7, %sub3A : vector<64x1160xf32>
    %exp3A = math.exp %sub3A_12 : vector<64x1160xf32>
    %get3A_13 = arith.constant 0 : index
    %get3A_14 = arith.constant 0 : index
    %get3A_15 = vector.load %arg5[%get3A_13, %get3A_14] : memref<64x1xf32, #tpu.memory_space<vmem>>, vector<64x1xf32>
    %sub3A_16 = arith.subf %get3A_10, %max3A : vector<64x1xf32>
    %exp3A_17 = math.exp %sub3A_16 : vector<64x1xf32>
    %mul3A = arith.mulf %get3A_15, %exp3A_17 : vector<64x1xf32>
    %reduce_sum3A = arith.constant dense<0.000000e+00> : vector<64xf32>
    %reduce_sum3A_18 = vector.multi_reduction <add>, %exp3A, %reduce_sum3A [1] : vector<64x1160xf32> to vector<64xf32>
    %broadcast_in_dim3A_19 = vector.shape_cast %reduce_sum3A_18 : vector<64xf32> to vector<64x1xf32>
    %add3A = arith.addf %mul3A, %broadcast_in_dim3A_19 : vector<64x1xf32>
    %swap3A = arith.constant 0 : index
    %swap3A_20 = arith.constant 0 : index
    %swap3A_21 = vector.load %arg5[%swap3A, %swap3A_20] : memref<64x1xf32, #tpu.memory_space<vmem>>, vector<64x1xf32>
    tpu.vector_store %arg5[%swap3A, %swap3A_20], %add3A {strides = array<i32>} : memref<64x1xf32, #tpu.memory_space<vmem>>, vector<64x1xf32>,
    %swap3A_22 = arith.constant 0 : index
    %swap3A_23 = arith.constant 0 : index
    %swap3A_24 = vector.load %arg4[%swap3A_22, %swap3A_23] : memref<64x1xf32, #tpu.memory_space<vmem>>, vector<64x1xf32>
    tpu.vector_store %arg4[%swap3A_22, %swap3A_23], %max3A {strides = array<i32>} : memref<64x1xf32, #tpu.memory_space<vmem>>, vector<64x1xf32>,
    %eq3A_25 = arith.constant 12 : i32
    %eq3A_26 = arith.cmpi eq, %arg0, %eq3A_25 : i32
    %convert_element_type3A_27 = arith.extui %eq3A_26 : i1 to i32
    %cond3A_28 = arith.constant 0 : i32
    %cond3A_29 = arith.cmpi ne, %convert_element_type3A_27, %cond3A_28 : i32
    scf.if %cond3A_29 {
      %get3A_30 = arith.constant 0 : index
      %get3A_31 = arith.constant 0 : index
      %get3A_32 = vector.load %arg4[%get3A_30, %get3A_31] : memref<64x1xf32, #tpu.memory_space<vmem>>, vector<64x1xf32>
      %get3A_33 = arith.constant 0 : index
      %get3A_34 = arith.constant 0 : index
      %get3A_35 = vector.load %arg5[%get3A_33, %get3A_34] : memref<64x1xf32, #tpu.memory_space<vmem>>, vector<64x1xf32>
      %log3A = math.log %get3A_35 : vector<64x1xf32>
      %add3A_36 = arith.addf %get3A_32, %log3A : vector<64x1xf32>
      %reduce_sum3A_37 = vector.shape_cast %add3A_36 : vector<64x1xf32> to vector<1x64x1xf32>
      %reduce_sum3A_38 = arith.constant dense<0.000000e+00> : vector<1xf32>
      %reduce_sum3A_39 = vector.multi_reduction <add>, %reduce_sum3A_37, %reduce_sum3A_38 [1, 2] : vector<1x64x1xf32> to vector<1xf32>
      %reduce_sum3A_40 = vector.shape_cast %reduce_sum3A_39 : vector<1xf32> to vector<1x1x1xf32>
      %reduce_sum3A_41 = vector.extract %reduce_sum3A_40[0, 0, 0] : f32 from vector<1x1x1xf32>
      %div3A = arith.constant 6.400000e+01 : f32
      %div3A_42 = arith.divf %reduce_sum3A_41, %div3A : f32
      %swap3A_43 = arith.constant 0 : index
      %swap3A_44 = arith.constant 0 : index
      %swap3A_45 = memref.load %arg3[%swap3A_43, %swap3A_44] : memref<1x1xf32, #tpu.memory_space<smem>>
      memref.store %div3A_42, %arg3[%swap3A_43, %swap3A_44] : memref<1x1xf32, #tpu.memory_space<smem>>
    } else {
    }
    return
  }
  func.func @transform_0(%arg0: i32) -> (i32, i32) {
    %c0_i32 = arith.constant 0 : i32
    %c0_i32_0 = arith.constant 0 : i32
    %c0_i32_1 = arith.constant 0 : i32
    return %c0_i32, %c0_i32_0 : i32, i32
  }
  func.func @transform_1(%arg0: i32) -> (i32, i32) {
    %c0_i32 = arith.constant 0 : i32
    %c0_i32_0 = arith.constant 0 : i32
    return %arg0, %c0_i32 : i32, i32
  }
  func.func @transform_2(%arg0: i32) -> (i32, i32) {
    %c0_i32 = arith.constant 0 : i32
    %c0_i32_0 = arith.constant 0 : i32
    %c0_i32_1 = arith.constant 0 : i32
    return %c0_i32, %c0_i32_0 : i32, i32
  }
}

</mosaic_0001>

<sc_bundles>
// kernel: _loss.4.cloned.1.call-start
scs
__scs_entry_jumppad:
0x0: {  	(pc) =	sbr.rel $0x88, $3  }
0x1: {  	(tag) =	ssettag $0x0;
	lr =	simm.s32 $0x1  }
0x2: {  	[smem:$0x3F9E] =	sst lr;
	_ =	strace $0xD0000000  }
0x3: {  	_ = 	snop  }
0x4: {  	_ = 	snop  }
0x5: {  	_ = 	snop  }
0x6: {  	_ = 	snop  }
0x7: {  	_ = 	snop  }
__scs_overlays_trampoline_lowered:
0x8: {  	[smem:$0x3FAD] =	sst s0  }
0x9: {  	[smem:$0x3FAE] =	sst s1  }
0xa: {  	[smem:$0x3FAF] =	sst s2  }
0xb: {  	[smem:$0x3FB0] =	sst s3  }
0xc: {  	[smem:$0x3FB1] =	sst s4  }
0xd: {  	[smem:$0x3FB2] =	sst s5  }
0xe: {  	[smem:$0x3FB3] =	sst s6  }
0xf: {  	[smem:$0x3FB4] =	sst s7  }
0x10: {  	[smem:$0x3FB5] =	sst s8  }
0x11: {  	[smem:$0x3FB6] =	sst s9;
	s0 =	simm.s32 @!p0 $0x0  }
0x12: {  	s1 =	sld [smem:$0x3F9C];
	s0 =	simm.s32 @p0 $0x1  }
0x13: {  	[smem:$0x3FB7] =	sst s0;
	s0 =	simm.s32 @!p1 $0x0  }
0x14: {  	s2 =	sld [smem:$0x3F9B];
	s0 =	simm.s32 @p1 $0x1  }
0x15: {  	[smem:$0x3FB8] =	sst s0;
	s0 =	simm.s32 @!p2 $0x0  }
0x16: {  	s3 =	sld [smem:$0x3FDB];
	s0 =	simm.s32 @p2 $0x1  }
0x17: {  	s4 =	simm.s32 $0x1BF5;
	[smem:$0x3FBA] =	sst s0  }
0x18: {  	s0 =	sld [smem:$0x3F9D];
	_ =	swait.ge [sflag:s4], $0x0  }
0x19: {  	s7 =	sld [smem:$0x3F9E]  }
0x1a: {  	s8 =	sadd.s32 $0xFFFFE003, lr  }
0x1b: {  	s9 =	sadd.s32 $0xFFFFFEF7, lr;
	s5 =	simm.s32 $0xFFFFFFFF;
	p2 =	slt.u32 s8, $0xFFFFF086  }
0x1c: {  	p1 =	slt.u32 s9, $0xF7A;
	s5 =	simm.s32 @!p2 $0x0  }
0x1d: {  	s5 =	simm.s32 @p1 $0x1;
	p0 =	seq.s32 s7, s2  }
0x1e: {  	s7 =	smul.u32 @!p0 $0xF7A, s2;
	p2 =	seq.s32 @!p0 s5, $0x0  }
0x1f: {  	s9 =	smul.u32 $0xF7A, s1;
	s8 =	simm.s32 @!p0 $0x1BF5;
	p2 =	por !p2, p0  }
0x20: {  	[sflag:s8] =	ssyncset.s32 @!p0 $0xFFFFF086;
	s6 =	sadd.s32 @!p0 s3, s7;
	s7 =	simm.s32 @!p0 $0x108  }
0x21: {  	s3 =	sadd.s32 s3, s9;
	s6 =	sadd.s32 @!p0 $0x88, s6;
	s7 =	simm.s32 @p2 $0x1082  }
0x22: {  	[simem:s7], [sflag:s8] =	dma.local @!p0 [hbm:s6], $0xF7A  }
0x23: {  	s9 =	sor.u32 $0xD0000000, s2;
	s6 =	simm.s32 $0x108;
	_ =	swait.ge @!p0 [sflag:s8], $0x0  }
0x24: {  	s3 =	sadd.s32 $0x88, s3;
	s6 =	simm.s32 @!p1 $0x1082;
	[sflag:s4] =	ssyncset.s32 $0xFFFFF086  }
0x25: {  	[simem:s6], [sflag:s4] =	dma.local [hbm:s3], $0xF7A  }
0x26: {  	[smem:$0x3F9E] =	sst s1;
	(tag) =	ssettag s2;
	_ =	strace s9  }
0x27: {  	s1 =	sld [smem:$0x3FAE]  }
0x28: {  	s2 =	sld [smem:$0x3FAF]  }
0x29: {  	s4 =	sld [smem:$0x3FB1]  }
0x2a: {  	p0 =	seq.s32 s5, $0x0;
	s5 =	sld [smem:$0x3FB2]  }
0x2b: {  	s6 =	sld [smem:$0x3FB3]  }
0x2c: {  	s7 =	sld [smem:$0x3FB4]  }
0x2d: {  	s3 =	simm.s32 $0x108;
	s8 =	sld [smem:$0x3FB5]  }
0x2e: {  	s3 =	simm.s32 @!p0 $0x1082;
	s9 =	sld [smem:$0x3FB6]  }
0x2f: {  	lr =	sadd.s32 s0, s3;
	s0 =	sld [smem:$0x3FAD]  }
0x30: {  	s3 =	sld [smem:$0x3FB0]  }
0x31: {  	[smem:$0x3FB9] =	sst s10  }
0x32: {  	s10 =	sld [smem:$0x3FB7];
	_ =	sdelay $0x3  }
0x33: {  	p0 =	seq.s32 s10, $0x1;
	s10 =	sld [smem:$0x3FB9];
	_ =	sdelay $0x3  }
0x34: {  	[smem:$0x3FB9] =	sst s10  }
0x35: {  	s10 =	sld [smem:$0x3FB8];
	_ =	sdelay $0x3  }
0x36: {  	p1 =	seq.s32 s10, $0x1;
	s10 =	sld [smem:$0x3FB9];
	_ =	sdelay $0x3  }
0x37: {  	[smem:$0x3FB9] =	sst s10  }
0x38: {  	s10 =	sld [smem:$0x3FBA]  }
0x39: {  	_ = 	snop;
	(pc) =	sbr.ind lr, $3  }
0x3a: {  	_ = 	snop  }
0x3b: {  	_ = 	snop  }
0x3c: {  	p2 =	seq.s32 s10, $0x1;
	s10 =	sld [smem:$0x3FB9]  }
0x3d: {  	_ =	shalt  }
0x3e: {  	_ =	shalt  }
0x3f: {  	_ =	shalt  }
0x40: {  	_ =	shalt  }
0x41: {  	_ =	shalt  }
0x42: {  	_ =	shalt  }
0x43: {  	_ =	shalt  }
0x44: {  	_ =	shalt  }
0x45: {  	_ =	shalt  }
0x46: {  	_ =	shalt  }
0x47: {  	_ =	shalt  }
0x48: {  	_ =	shalt  }
0x49: {  	_ =	shalt  }
0x4a: {  	_ =	shalt  }
0x4b: {  	_ =	shalt  }
0x4c: {  	_ =	shalt  }
0x4d: {  	_ =	shalt  }
0x4e: {  	_ =	shalt  }
0x4f: {  	_ =	shalt  }
0x50: {  	_ =	shalt  }
0x51: {  	_ =	shalt  }
0x52: {  	_ =	shalt  }
0x53: {  	_ =	shalt  }
0x54: {  	_ =	shalt  }
0x55: {  	_ =	shalt  }
0x56: {  	_ =	shalt  }
0x57: {  	_ =	shalt  }
0x58: {  	_ =	shalt  }
0x59: {  	_ =	shalt  }
0x5a: {  	_ =	shalt  }
0x5b: {  	_ =	shalt  }
0x5c: {  	_ =	shalt  }
0x5d: {  	_ =	shalt  }
0x5e: {  	_ =	shalt  }
0x5f: {  	_ =	shalt  }
0x60: {  	_ =	shalt  }
0x61: {  	_ =	shalt  }
0x62: {  	_ =	shalt  }
0x63: {  	_ =	shalt  }
0x64: {  	_ =	shalt  }
0x65: {  	_ =	shalt  }
0x66: {  	_ =	shalt  }
0x67: {  	_ =	shalt  }
0x68: {  	_ =	shalt  }
0x69: {  	_ =	shalt  }
0x6a: {  	_ =	shalt  }
0x6b: {  	_ =	shalt  }
0x6c: {  	_ =	shalt  }
0x6d: {  	_ =	shalt  }
0x6e: {  	_ =	shalt  }
0x6f: {  	_ =	shalt  }
0x70: {  	_ =	shalt  }
0x71: {  	_ =	shalt  }
0x72: {  	_ =	shalt  }
0x73: {  	_ =	shalt  }
0x74: {  	_ =	shalt  }
0x75: {  	_ =	shalt  }
0x76: {  	_ =	shalt  }
0x77: {  	_ =	shalt  }
0x78: {  	_ =	shalt  }
0x79: {  	_ =	shalt  }
0x7a: {  	_ =	shalt  }
0x7b: {  	_ =	shalt  }
0x7c: {  	_ =	shalt  }
0x7d: {  	_ =	shalt  }
0x7e: {  	_ =	shalt  }
0x7f: {  	_ =	shalt  }
0x80: {  	_ =	shalt  }
0x81: {  	_ =	shalt  }
0x82: {  	_ =	shalt  }
0x83: {  	_ =	shalt  }
0x84: {  	_ =	shalt  }
0x85: {  	_ =	shalt  }
0x86: {  	_ =	shalt  }
0x87: {  	_ =	shalt  }
.Lfunc_end0:
.L_simem_size_0:
called_computation_lowered:
.L_overlay_start_0:
0x88: {  	s2 =	sld [smem:$0x3FD9]  }
0x89: {  	s3 =	sld [smem:$0x3FFE];
	_ =	sdelay $0x1  }
0x8a: {  	s1 =	srdreg.scid  }
0x8b: {  	s0 =	sand.u32 $0x1, s1  }
0x8c: {  	s17 =	sshll.u32 s0, $0xA;
	s2 =	sadd.s32 s3, s2  }
0x8d: {  	s2 =	sadd.s32 s2, s17  }
0x8e: {  	[smem:$0x3FC5] =	sst s2  }
0x8f: {  	_ = 	snop  }
0x90: {  	s2 =	sld [smem:$0x3FC9]  }
0x91: {  	s18 =	sld [smem:$0x3FC8]  }
0x92: {  	s4 =	sld [smem:$0x3FC7];
	(tm) =	ssettm $0x1  }
0x93: {  	s5 =	sld [smem:$0x3FFB];
	_ =	sdelay $0x3  }
0x94: {  	_ =	strace s5  }
0x95: {  	s5 =	sld [smem:$0x3FFC];
	_ =	sdelay $0x3  }
0x96: {  	_ =	strace s5  }
0x97: {  	s5 =	sld [smem:$0x3FFD];
	_ =	sdelay $0x3  }
0x98: {  	_ =	strace s5  }
0x99: {  	_ =	strace $0x8FFFFFFF  }
0x9a: {  	s19 =	sld [smem:$0x3FDB];
	_ =	sdelay $0x1  }
0x9b: {  	s6 =	simm.s32 $_scs_section_size  }
0x9c: {  	s7 =	simm.s32 $_size__tile_overlayer_lowered;
	s8 =	simm.s32 $_tile_overlayer_lowered  }
0x9d: {  	s22 =	simm.s32 $0x1BFF;
	s21 =	sshll.u32 s8, $0x1;
	s5 =	sadd.s32 s6, s19  }
0x9e: {  	s9 =	simm.s32 $0x0;
	s20 =	sshll.u32 s7, $0x1;
	s7 =	sadd.s32 s21, s5  }
0x9f: {  	[timem:s9], [sflag:s22] =	dma.local [hbm:s7], s20  }
0xa0: {  	_ =	swait.ge [sflag:s22], s20  }
0xa1: {  	s6 =	ssub.s32 $0x0, s20;
	[sflag:s22] =	ssyncset.done $0x0  }
0xa2: {  	[sflag:s22] =	ssyncadd.s32 s6;
	_ =	sdelay $0x1  }
0xa3: {  	s23 =	simm.s32 $0x1B8B  }
0xa4: {  	_ =	swait.ge [sflag:s23], $0x1  }
0xa5: {  	[sflag:s23] =	ssyncset.done $0x0  }
0xa6: {  	s25 =	simm.s32 $0x1B8E;
	s24 =	sld [smem:$0x3FFE];
	[sflag:s23] =	ssyncadd.s32 $0xFFFFFFFF  }
0xa7: {  	s26 =	simm.s32 $execute0_lowered;
	[smem:$0x3FD2] =	sst s25  }
0xa8: {  	s7 =	sshll.u32 s26, $0x1;
	_ =	strace $0x80000046;
	[dreg:$0x1] =	wrdreg $0xFFFFFFFF  }
0xa9: {  	s28 =	simm.s32 $_size_execute0_lowered;
	s5 =	sadd.s32 s5, s7;
	[dreg:$0x0] =	wrdreg $0x0  }
0xaa: {  	s7 =	sshll.u32 s28, $0x1;
	[dreg:$0x2] =	wrdreg s5  }
0xab: {  	[dreg:$0x3] =	wrdreg s7  }
0xac: {  	[dreg:$0x4] =	wrdreg $0xC0  }
0xad: {  	_ =	task [dreg:s9], $0x5FFFF  }
0xae: {  	[dreg:$0x1] =	wrdreg $0xFFFFFFFF  }
0xaf: {  	[dreg:$0x0] =	wrdreg $0x60  }
0xb0: {  	[dreg:$0x2] =	wrdreg s4  }
0xb1: {  	[dreg:$0x3] =	wrdreg s18  }
0xb2: {  	[dreg:$0x4] =	wrdreg s2  }
0xb3: {  	[dreg:$0x5] =	wrdreg s24  }
0xb4: {  	[dreg:$0x6] =	wrdreg $0x9  }
0xb5: {  	_ =	task.clear_ibuf [dreg:s9], $0x7FFFF;
	_ =	strace $0x90000046  }
0xb6: {  	s29 =	simm.s32 $0x9;
	_ =	strace $0x80000048  }
0xb7: {  	_ =	swait.ge [sflag:s29], $0x1  }
0xb8: {  	[sflag:s29] =	ssyncadd.s32 $0xFFFFFFFF  }
0xb9: {  	_ =	strace $0x90000048  }
0xba: {  	_ =	sfence  }
0xbb: {  	s30 =	sld [smem:$0x0];
	_ =	sdelay $0x2  }
0xbc: {  	s31 =	sshll.u32 s1, $0xD;
	s1 =	sshrl.u32 s1, $0x2  }
0xbd: {  	s3 =	sand.u32 $0x4000, s31;
	s1 =	sadd.s32 s1, s30  }
0xbe: {  	s0 =	sor.u32 s3, s0;
	s1 =	sshll.u32 s1, $0x11  }
0xbf: {  	s0 =	sor.u32 s1, s0  }
0xc0: {  	s0 =	sadd.s32 $0x8F2B, s0  }
0xc1: {  	[sflag:s0] =	ssyncadd.remote.s32 $0x1  }
0xc2: {  	_ =	sfence.sel $0xFFFF  }
0xc3: {  	[dreg:$0x0] =	wrdreg $0xFFFFFFFF;
	(pc) =	sbr.abs _section_cstart, $3  }
0xc4: {  	[dreg:$0x1] =	wrdreg $0xFFFFFFFF  }
0xc5: {  	_ =	task.clear_ibuf [dreg:s9], $0x2FFFF;
	_ =	strace $0x9FFFFFFF  }
0xc6: {  	(tm) =	ssettm $0x7FFFFFFF  }
0xc7: {  	_ =	shalt  }
tec
execute0_lowered:
.L_overlay_start_1:
0x0: {  	(tag) =	ssettag $0x1  }
0x1: {  	s4 =	rddreg [dreg:$0x0]  }
0x2: {  	s3 =	rddreg [dreg:$0x1]  }
0x3: {  	s5 =	rddreg [dreg:$0x2]  }
0x4: {  	s6 =	rddreg [dreg:$0x3]  }
0x5: {  	s0 =	rddreg [dreg:$0x4];
	s2 =	simm.s32 $0x0;
	s7 =	srdreg.scid  }
0x6: {  	s1 =	stileid.u32;
	s13 =	simm.s32 $0x1;
	s14 =	simm.s32 $0x2080  }
0x7: {  	[smem:$0x7FF] =	sst s2;
	s7 =	sand.u32 $0x1, s7;
	s8 =	sshrl.u32 s1, $0x1  }
0x8: {  	s12 =	sshll.u32 s1, $0x1;
	_ =	strace $0x80000047;
	s9 =	ssub.s32 $0x2, s7  }
0x9: {  	s10 =	sshll.u32 s8, $0x9;
	s31 =	sand.u32 $0x2, s12;
	s3 =	sadd.s32 s3, s8  }
0xa: {  	s8 =	sshll.u32 s8, $0xB;
	s12 =	simm.s32 $0x1080;
	s11 =	sshrl.u32 s9, $0x1  }
0xb: {  	v0 =	vlaneseq.u32;
	s6 =	sadd.s32 s10, s6;
	s7 =	sor.u32 s7, s31;
	s5 =	sadd.s32 s5, s8  }
0xc: {  	v1 =	vshrl.u32 v0, $0x3;
	s8 =	simm.s32 $0x2;
	s9 =	ssub.s32 s9, s11;
	s10 =	sshll.u32 s7, $0x9  }
0xd: {  	v0 =	vand.u32 $0x7, v0;
	v63 =	vmul.u32 $0x8, v1;
	s7 =	sshll.u32 s7, $0x7;
	s11 =	simm.s32 $0x880;
	s4 =	sadd.s32 s4, s10  }
0xe: {  	[tilespmem:$0x1FFE0] =	vst v0;
	s5 =	sadd.s32 s10, s5;
	s6 =	sadd.s32 s7, s6;
	s7 =	smax.u32 s9, $0x1  }
0xf: {  	vm0 =	vmmov $0xffff;
	[tilespmem:$0x1FFF0] =	vst v63;
	s9 =	simm.s32 $0x80;
	s6 =	sadd.s32 $0x200, s6;
	s10 =	sadd.s32 $0x100, s4  }
.LBB2_1:
0x10: {  	[tilespmem:s2], [sflag:$0x2] =	stream.linear.gather [hbm4b:s3+s2], $0x8, $0x38;
	[tilespmem:$0x2480] =	vst v63  }
0x11: {  	_ =	swait.ge [sflag:s8], $0x8  }
0x12: {  	[sflag:s8] =	ssyncset.done $0x0  }
0x13: {  	[sflag:s8] =	ssyncadd.s32 $0xFFFFFFF8  }
0x14: {  	v0 =	vld.msk [tilespmem:$0x0], $0xff;
	_ =	sdelay $0x2  }
0x15: {  	v55 =	vld [tilespmem:$0x1FFE0];
	_ =	sdelay $0x1  }
0x16: {  	v56 =	vld [tilespmem:$0x1FFF0];
	v1 =	vshll.u32 v0, $0x4  }
0x17: {  	v0 =	vand.u32 $0x7, v0;
	v1 =	vand.u32 $0xFFFFFF80, v1  }
0x18: {  	v0 =	vor.u32 v0, v1  }
0x19: {  	v0 =	vperm.xlane v0, v55;
	_ =	sdelay $0x1  }
0x1a: {  	v0 =	vadd.s32 v56, v0;
	_ =	sdelay $0x4  }
0x1b: {  	[tilespmem:s9], [sflag:$0x1] =	stream.indirect_vreg.gather [hbm4b:s4+s2], $0x80, v0, vm0, $0xb8;
	[tilespmem:$0x2480] =	vst v63  }
0x1c: {  	_ = 	snop  }
0x1d: {  	[tilespmem:s11], [sflag:$0x1] =	stream.indirect_vreg.gather [hbm4b:s10+s2], $0x80, v0, vm0, $0xb8;
	[tilespmem:$0x2480] =	vst v63  }
0x1e: {  	_ = 	snop  }
0x1f: {  	[tilespmem:s12], [sflag:$0x2] =	stream.linear.gather [hbm4b:s5+s2], $0x1000, $0x38;
	[tilespmem:$0x2480] =	vst v63  }
0x20: {  	_ =	swait.ge [sflag:s8], $0x1000  }
0x21: {  	[sflag:s8] =	ssyncset.done $0x0  }
0x22: {  	[sflag:s8] =	ssyncadd.s32 $0xFFFFF000  }
0x23: {  	_ =	swait.ge [sflag:s13], $0x1000  }
0x24: {  	[sflag:s13] =	ssyncset.done $0x0  }
0x25: {  	[sflag:s13] =	ssyncadd.s32 $0xFFFFF000  }
0x26: {  	v60 =	vld [tilespmem:$0xCE0];
	_ =	sdelay $0x4  }
0x27: {  	[tilespmem:$0x1EA20] =	vst v60;
	v60 =	vld [tilespmem:$0x1120];
	_ =	sdelay $0x4  }
0x28: {  	[tilespmem:$0x1EA50] =	vst v60;
	v60 =	vld [tilespmem:$0x160];
	_ =	sdelay $0x4  }
0x29: {  	[tilespmem:$0x1EA80] =	vst v60;
	v60 =	vld [tilespmem:$0x1160];
	_ =	sdelay $0x4  }
0x2a: {  	[tilespmem:$0x1EA90] =	vst v60;
	v60 =	vld [tilespmem:$0x170];
	_ =	sdelay $0x4  }
0x2b: {  	[tilespmem:$0x1EAA0] =	vst v60;
	v60 =	vld [tilespmem:$0x1170];
	_ =	sdelay $0x4  }
0x2c: {  	[tilespmem:$0x1EAB0] =	vst v60;
	v60 =	vld [tilespmem:$0x500];
	_ =	sdelay $0x4  }
0x2d: {  	[tilespmem:$0x1EAC0] =	vst v60;
	v60 =	vld [tilespmem:$0x1500];
	_ =	sdelay $0x4  }
0x2e: {  	[tilespmem:$0x1EAD0] =	vst v60;
	v60 =	vld [tilespmem:$0x510];
	_ =	sdelay $0x4  }
0x2f: {  	[tilespmem:$0x1EAE0] =	vst v60;
	v60 =	vld [tilespmem:$0x1510];
	_ =	sdelay $0x4  }
0x30: {  	[tilespmem:$0x1EAF0] =	vst v60;
	v60 =	vld [tilespmem:$0x520];
	_ =	sdelay $0x4  }
0x31: {  	[tilespmem:$0x1EB00] =	vst v60;
	v60 =	vld [tilespmem:$0x1520];
	_ =	sdelay $0x4  }
0x32: {  	[tilespmem:$0x1EB10] =	vst v60;
	v60 =	vld [tilespmem:$0x530];
	_ =	sdelay $0x4  }
0x33: {  	[tilespmem:$0x1EB20] =	vst v60;
	v60 =	vld [tilespmem:$0x1530];
	_ =	sdelay $0x4  }
0x34: {  	[tilespmem:$0x1EB30] =	vst v60;
	v60 =	vld [tilespmem:$0x540];
	_ =	sdelay $0x4  }
0x35: {  	[tilespmem:$0x1EB40] =	vst v60;
	v60 =	vld [tilespmem:$0x1540];
	_ =	sdelay $0x4  }
0x36: {  	[tilespmem:$0x1EB50] =	vst v60;
	v60 =	vld [tilespmem:$0x550];
	_ =	sdelay $0x4  }
0x37: {  	[tilespmem:$0x1EB60] =	vst v60;
	v60 =	vld [tilespmem:$0x1550];
	_ =	sdelay $0x4  }
0x38: {  	[tilespmem:$0x1EB70] =	vst v60;
	v60 =	vld [tilespmem:$0x560];
	_ =	sdelay $0x4  }
0x39: {  	[tilespmem:$0x1EB80] =	vst v60;
	v60 =	vld [tilespmem:$0x1560];
	_ =	sdelay $0x4  }
0x3a: {  	[tilespmem:$0x1EB90] =	vst v60;
	v60 =	vld [tilespmem:$0x570];
	_ =	sdelay $0x4  }
0x3b: {  	[tilespmem:$0x1EBA0] =	vst v60;
	v60 =	vld [tilespmem:$0x1570];
	_ =	sdelay $0x4  }
0x3c: {  	[tilespmem:$0x1EBB0] =	vst v60;
	v60 =	vld [tilespmem:$0x900];
	_ =	sdelay $0x4  }
0x3d: {  	[tilespmem:$0x1EBC0] =	vst v60;
	v60 =	vld [tilespmem:$0x1900];
	_ =	sdelay $0x4  }
0x3e: {  	[tilespmem:$0x1EBD0] =	vst v60;
	v60 =	vld [tilespmem:$0x910];
	_ =	sdelay $0x4  }
0x3f: {  	[tilespmem:$0x1EBE0] =	vst v60;
	v60 =	vld [tilespmem:$0x1910];
	_ =	sdelay $0x4  }
0x40: {  	[tilespmem:$0x1EBF0] =	vst v60;
	v60 =	vld [tilespmem:$0x920];
	_ =	sdelay $0x4  }
0x41: {  	[tilespmem:$0x1EC00] =	vst v60;
	v60 =	vld [tilespmem:$0x1920];
	_ =	sdelay $0x4  }
0x42: {  	[tilespmem:$0x1EC10] =	vst v60;
	v60 =	vld [tilespmem:$0x930];
	_ =	sdelay $0x4  }
0x43: {  	[tilespmem:$0x1EC20] =	vst v60;
	v60 =	vld [tilespmem:$0x1930];
	_ =	sdelay $0x4  }
0x44: {  	[tilespmem:$0x1EC30] =	vst v60;
	v60 =	vld [tilespmem:$0x940];
	_ =	sdelay $0x4  }
0x45: {  	[tilespmem:$0x1EC40] =	vst v60;
	v60 =	vld [tilespmem:$0x1940];
	_ =	sdelay $0x4  }
0x46: {  	[tilespmem:$0x1EC50] =	vst v60;
	v60 =	vld [tilespmem:$0x950];
	_ =	sdelay $0x4  }
0x47: {  	[tilespmem:$0x1EC60] =	vst v60;
	v60 =	vld [tilespmem:$0x1950];
	_ =	sdelay $0x4  }
0x48: {  	[tilespmem:$0x1EC70] =	vst v60;
	v60 =	vld [tilespmem:$0x960];
	_ =	sdelay $0x4  }
0x49: {  	[tilespmem:$0x1EC80] =	vst v60;
	v60 =	vld [tilespmem:$0x1960];
	_ =	sdelay $0x4  }
0x4a: {  	[tilespmem:$0x1EC90] =	vst v60;
	v60 =	vld [tilespmem:$0x970];
	_ =	sdelay $0x4  }
0x4b: {  	[tilespmem:$0x1ECE0] =	vst v60;
	v60 =	vld [tilespmem:$0x1970];
	_ =	sdelay $0x4  }
0x4c: {  	[tilespmem:$0x1ECF0] =	vst v60;
	v60 =	vld [tilespmem:$0xD00];
	_ =	sdelay $0x4  }
0x4d: {  	[tilespmem:$0x1ECA0] =	vst v60;
	v60 =	vld [tilespmem:$0x1D00];
	_ =	sdelay $0x4  }
0x4e: {  	[tilespmem:$0x1ECB0] =	vst v60;
	v60 =	vld [tilespmem:$0xD10];
	_ =	sdelay $0x4  }
0x4f: {  	[tilespmem:$0x1ECC0] =	vst v60;
	v60 =	vld [tilespmem:$0x1D10];
	_ =	sdelay $0x4  }
0x50: {  	[tilespmem:$0x1ECD0] =	vst v60;
	v60 =	vld [tilespmem:$0xD20];
	_ =	sdelay $0x4  }
0x51: {  	[tilespmem:$0x1ED00] =	vst v60;
	v60 =	vld [tilespmem:$0x1D20];
	_ =	sdelay $0x4  }
0x52: {  	[tilespmem:$0x1ED10] =	vst v60;
	v60 =	vld [tilespmem:$0xD30];
	_ =	sdelay $0x4  }
0x53: {  	[tilespmem:$0x1ED60] =	vst v60;
	v60 =	vld [tilespmem:$0x1D30];
	_ =	sdelay $0x4  }
0x54: {  	[tilespmem:$0x1ED70] =	vst v60;
	v60 =	vld [tilespmem:$0xD40];
	_ =	sdelay $0x4  }
0x55: {  	[tilespmem:$0x1ED20] =	vst v60;
	v60 =	vld [tilespmem:$0x1D40];
	_ =	sdelay $0x4  }
0x56: {  	[tilespmem:$0x1ED30] =	vst v60;
	v60 =	vld [tilespmem:$0xD50];
	_ =	sdelay $0x4  }
0x57: {  	[tilespmem:$0x1ED40] =	vst v60;
	v60 =	vld [tilespmem:$0x1D50];
	_ =	sdelay $0x4  }
0x58: {  	[tilespmem:$0x1ED50] =	vst v60;
	v60 =	vld [tilespmem:$0xD60];
	_ =	sdelay $0x4  }
0x59: {  	[tilespmem:$0x1ED80] =	vst v60;
	v60 =	vld [tilespmem:$0x1D60];
	_ =	sdelay $0x4  }
0x5a: {  	[tilespmem:$0x1ED90] =	vst v60;
	v60 =	vld [tilespmem:$0xD70];
	_ =	sdelay $0x4  }
0x5b: {  	[tilespmem:$0x1EDC0] =	vst v60;
	v60 =	vld [tilespmem:$0x1D70];
	_ =	sdelay $0x3  }
0x5c: {  	v8 =	vld [tilespmem:$0x80]  }
0x5d: {  	[tilespmem:$0x1EDD0] =	vst v60;
	v60 =	vld [tilespmem:$0x180]  }
0x5e: {  	v4 =	vld [tilespmem:$0x1080]  }
0x5f: {  	v9 =	vld [tilespmem:$0x90]  }
0x60: {  	v5 =	vld [tilespmem:$0x1090]  }
0x61: {  	v10 =	vld [tilespmem:$0xA0]  }
0x62: {  	[tilespmem:$0x1EDE0] =	vst v60;
	v60 =	vld [tilespmem:$0x1180]  }
0x63: {  	v6 =	vld [tilespmem:$0x10A0]  }
0x64: {  	v14 =	vld [tilespmem:$0xB0]  }
0x65: {  	v12 =	vld [tilespmem:$0x10B0]  }
0x66: {  	v1 =	vld [tilespmem:$0xC0]  }
0x67: {  	[tilespmem:$0x1EDF0] =	vst v60;
	v60 =	vld [tilespmem:$0x190]  }
0x68: {  	v0 =	vld [tilespmem:$0x10C0]  }
0x69: {  	v3 =	vld [tilespmem:$0xD0]  }
0x6a: {  	v2 =	vld [tilespmem:$0x10D0]  }
0x6b: {  	v11 =	vld [tilespmem:$0xE0]  }
0x6c: {  	[tilespmem:$0x1EE00] =	vst v60;
	v60 =	vld [tilespmem:$0x1190]  }
0x6d: {  	v7 =	vld [tilespmem:$0x10E0]  }
0x6e: {  	v15 =	vld [tilespmem:$0xF0]  }
0x6f: {  	v13 =	vld [tilespmem:$0x10F0]  }
0x70: {  	v24 =	vld [tilespmem:$0x480]  }
0x71: {  	[tilespmem:$0x1EE10] =	vst v60;
	v60 =	vld [tilespmem:$0x1A0]  }
0x72: {  	v20 =	vld [tilespmem:$0x1480]  }
0x73: {  	v21 =	vld [tilespmem:$0x490]  }
0x74: {  	v16 =	vld [tilespmem:$0x1490]  }
0x75: {  	v22 =	vld [tilespmem:$0x4A0]  }
0x76: {  	[tilespmem:$0x1EE20] =	vst v60;
	v60 =	vld [tilespmem:$0x11A0]  }
0x77: {  	v18 =	vld [tilespmem:$0x14A0]  }
0x78: {  	v19 =	vld [tilespmem:$0x4B0]  }
0x79: {  	v17 =	vld [tilespmem:$0x14B0]  }
0x7a: {  	v25 =	vld [tilespmem:$0x4C0]  }
0x7b: {  	[tilespmem:$0x1EE30] =	vst v60;
	v60 =	vld [tilespmem:$0x1B0]  }
0x7c: {  	v23 =	vld [tilespmem:$0x14C0]  }
0x7d: {  	v30 =	vld [tilespmem:$0x4D0]  }
0x7e: {  	v27 =	vld [tilespmem:$0x14D0]  }
0x7f: {  	v36 =	vld [tilespmem:$0x4E0]  }
0x80: {  	[tilespmem:$0x1EE60] =	vst v60;
	v60 =	vld [tilespmem:$0x11B0]  }
0x81: {  	v31 =	vld [tilespmem:$0x14E0]  }
0x82: {  	v32 =	vld [tilespmem:$0x4F0]  }
0x83: {  	v28 =	vld [tilespmem:$0x14F0]  }
0x84: {  	v34 =	vld [tilespmem:$0x880]  }
0x85: {  	[tilespmem:$0x1EE70] =	vst v60;
	v60 =	vld [tilespmem:$0x1C0]  }
0x86: {  	v33 =	vld [tilespmem:$0x1880]  }
0x87: {  	v29 =	vld [tilespmem:$0x890]  }
0x88: {  	v26 =	vld [tilespmem:$0x1890]  }
0x89: {  	v37 =	vld [tilespmem:$0x8A0]  }
0x8a: {  	[tilespmem:$0x1EE40] =	vst v60;
	v60 =	vld [tilespmem:$0x11C0]  }
0x8b: {  	v35 =	vld [tilespmem:$0x18A0]  }
0x8c: {  	v45 =	vld [tilespmem:$0x8B0]  }
0x8d: {  	v39 =	vld [tilespmem:$0x18B0]  }
0x8e: {  	v50 =	vld [tilespmem:$0x8C0]  }
0x8f: {  	[tilespmem:$0x1EE50] =	vst v60;
	v60 =	vld [tilespmem:$0x1D0]  }
0x90: {  	v41 =	vld [tilespmem:$0x18C0]  }
0x91: {  	v42 =	vld [tilespmem:$0x8D0]  }
0x92: {  	v40 =	vld [tilespmem:$0x18D0]  }
0x93: {  	v46 =	vld [tilespmem:$0x8E0]  }
0x94: {  	[tilespmem:$0x1EE80] =	vst v60;
	v60 =	vld [tilespmem:$0x11D0]  }
0x95: {  	v43 =	vld [tilespmem:$0x18E0]  }
0x96: {  	v44 =	vld [tilespmem:$0x8F0]  }
0x97: {  	v38 =	vld [tilespmem:$0x18F0]  }
0x98: {  	v52 =	vld [tilespmem:$0xC80]  }
0x99: {  	[tilespmem:$0x1EE90] =	vst v60;
	v60 =	vld [tilespmem:$0x1E0]  }
0x9a: {  	v47 =	vld [tilespmem:$0x1C80]  }
0x9b: {  	v48 =	vld [tilespmem:$0xC90]  }
0x9c: {  	v55 =	vld [tilespmem:$0x1C90]  }
0x9d: {  	v57 =	vld [tilespmem:$0xCA0]  }
0x9e: {  	[tilespmem:$0x1EEA0] =	vst v60;
	v60 =	vld [tilespmem:$0x11E0]  }
0x9f: {  	v61 =	vld [tilespmem:$0x1CA0]  }
0xa0: {  	v62 =	vld [tilespmem:$0xCB0]  }
0xa1: {  	v56 =	vld [tilespmem:$0x1CB0]  }
0xa2: {  	v58 =	vld [tilespmem:$0xCC0]  }
0xa3: {  	[tilespmem:$0x1EEB0] =	vst v60;
	v60 =	vld [tilespmem:$0x1F0]  }
0xa4: {  	v63 =	vld [tilespmem:$0x1CC0]  }
0xa5: {  	v59 =	vld [tilespmem:$0xCD0]  }
0xa6: {  	v53 =	vld [tilespmem:$0x1CE0]  }
0xa7: {  	v54 =	vld [tilespmem:$0xCF0]  }
0xa8: {  	[tilespmem:$0x1EEC0] =	vst v60;
	v60 =	vld [tilespmem:$0x11F0]  }
0xa9: {  	v49 =	vld [tilespmem:$0x110]  }
0xaa: {  	v51 =	vld [tilespmem:$0x1150];
	[tilespmem:$0x1E9D0] =	vst v48  }
0xab: {  	[tilespmem:$0x1E9E0] =	vst v57;
	v57 =	vld [tilespmem:$0x1CD0]  }
0xac: {  	[tilespmem:$0x1EA00] =	vst v59;
	v59 =	vld [tilespmem:$0x120]  }
0xad: {  	[tilespmem:$0x1EED0] =	vst v60;
	v60 =	vld [tilespmem:$0x580]  }
0xae: {  	[tilespmem:$0x1E9F0] =	vst v58;
	v58 =	vld [tilespmem:$0x1CF0]  }
0xaf: {  	[tilespmem:$0x1EA30] =	vst v53;
	v53 =	vld [tilespmem:$0x100]  }
0xb0: {  	[tilespmem:$0x1EDA0] =	vst v54;
	v54 =	vld [tilespmem:$0x130]  }
0xb1: {  	[tilespmem:$0x1EA40] =	vst v59;
	v59 =	vld [tilespmem:$0x1130]  }
0xb2: {  	[tilespmem:$0x1EEE0] =	vst v60;
	v60 =	vld [tilespmem:$0x1580]  }
0xb3: {  	v48 =	vld [tilespmem:$0x1100];
	[tilespmem:$0x1EA10] =	vst v49  }
0xb4: {  	v49 =	vld [tilespmem:$0x1140];
	[tilespmem:$0x1EDB0] =	vst v58  }
0xb5: {  	v58 =	vld [tilespmem:$0x1110];
	[tilespmem:$0x1EA60] =	vst v54  }
0xb6: {  	v54 =	vld [tilespmem:$0x140];
	[tilespmem:$0x1EA70] =	vst v59  }
0xb7: {  	v59 =	vld [tilespmem:$0x150];
	[tilespmem:$0x1EEF0] =	vst v60  }
0xb8: {  	v60 =	vld [tilespmem:$0x590];
	_ =	sdelay $0x4  }
0xb9: {  	[tilespmem:$0x1EF00] =	vst v60;
	v60 =	vld [tilespmem:$0x1590];
	_ =	sdelay $0x4  }
0xba: {  	[tilespmem:$0x1EF10] =	vst v60;
	v60 =	vld [tilespmem:$0x5A0];
	_ =	sdelay $0x4  }
0xbb: {  	[tilespmem:$0x1EF20] =	vst v60;
	v60 =	vld [tilespmem:$0x15A0];
	_ =	sdelay $0x4  }
0xbc: {  	[tilespmem:$0x1EF30] =	vst v60;
	v60 =	vld [tilespmem:$0x5B0];
	_ =	sdelay $0x4  }
0xbd: {  	[tilespmem:$0x1EF40] =	vst v60;
	v60 =	vld [tilespmem:$0x15B0];
	_ =	sdelay $0x4  }
0xbe: {  	[tilespmem:$0x1EF50] =	vst v60;
	v60 =	vld [tilespmem:$0x5C0];
	_ =	sdelay $0x4  }
0xbf: {  	[tilespmem:$0x1EF60] =	vst v60;
	v60 =	vld [tilespmem:$0x15C0];
	_ =	sdelay $0x4  }
0xc0: {  	[tilespmem:$0x1EF70] =	vst v60;
	v60 =	vld [tilespmem:$0x5D0];
	_ =	sdelay $0x4  }
0xc1: {  	[tilespmem:$0x1EF80] =	vst v60;
	v60 =	vld [tilespmem:$0x15D0];
	_ =	sdelay $0x4  }
0xc2: {  	[tilespmem:$0x1EF90] =	vst v60;
	v60 =	vld [tilespmem:$0x5E0];
	_ =	sdelay $0x4  }
0xc3: {  	[tilespmem:$0x1EFA0] =	vst v60;
	v60 =	vld [tilespmem:$0x15E0];
	_ =	sdelay $0x4  }
0xc4: {  	[tilespmem:$0x1EFB0] =	vst v60;
	v60 =	vld [tilespmem:$0x5F0];
	_ =	sdelay $0x4  }
0xc5: {  	[tilespmem:$0x1EFC0] =	vst v60;
	v60 =	vld [tilespmem:$0x15F0];
	_ =	sdelay $0x4  }
0xc6: {  	[tilespmem:$0x1EFD0] =	vst v60;
	v60 =	vld [tilespmem:$0x980];
	_ =	sdelay $0x4  }
0xc7: {  	[tilespmem:$0x1EFE0] =	vst v60;
	v60 =	vld [tilespmem:$0x1980];
	_ =	sdelay $0x4  }
0xc8: {  	[tilespmem:$0x1EFF0] =	vst v60;
	v60 =	vld [tilespmem:$0x990];
	_ =	sdelay $0x4  }
0xc9: {  	[tilespmem:$0x1F000] =	vst v60;
	v60 =	vld [tilespmem:$0x1990];
	_ =	sdelay $0x4  }
0xca: {  	[tilespmem:$0x1F010] =	vst v60;
	v60 =	vld [tilespmem:$0x9A0];
	_ =	sdelay $0x4  }
0xcb: {  	[tilespmem:$0x1F020] =	vst v60;
	v60 =	vld [tilespmem:$0x19A0];
	_ =	sdelay $0x4  }
0xcc: {  	[tilespmem:$0x1F030] =	vst v60;
	v60 =	vld [tilespmem:$0x9B0];
	_ =	sdelay $0x4  }
0xcd: {  	[tilespmem:$0x1F040] =	vst v60;
	v60 =	vld [tilespmem:$0x19B0];
	_ =	sdelay $0x4  }
0xce: {  	[tilespmem:$0x1F050] =	vst v60;
	v60 =	vld [tilespmem:$0x9C0];
	_ =	sdelay $0x4  }
0xcf: {  	[tilespmem:$0x1F060] =	vst v60;
	v60 =	vld [tilespmem:$0x19C0];
	_ =	sdelay $0x4  }
0xd0: {  	[tilespmem:$0x1F070] =	vst v60;
	v60 =	vld [tilespmem:$0x9D0];
	_ =	sdelay $0x4  }
0xd1: {  	[tilespmem:$0x1F080] =	vst v60;
	v60 =	vld [tilespmem:$0x19D0];
	_ =	sdelay $0x4  }
0xd2: {  	[tilespmem:$0x1F090] =	vst v60;
	v60 =	vld [tilespmem:$0x9E0];
	_ =	sdelay $0x4  }
0xd3: {  	[tilespmem:$0x1F0A0] =	vst v60;
	v60 =	vld [tilespmem:$0x19E0];
	_ =	sdelay $0x4  }
0xd4: {  	[tilespmem:$0x1F0B0] =	vst v60;
	v60 =	vld [tilespmem:$0x9F0];
	_ =	sdelay $0x4  }
0xd5: {  	[tilespmem:$0x1F0C0] =	vst v60;
	v60 =	vld [tilespmem:$0x19F0];
	_ =	sdelay $0x4  }
0xd6: {  	[tilespmem:$0x1F0D0] =	vst v60;
	v60 =	vld [tilespmem:$0xD80];
	_ =	sdelay $0x4  }
0xd7: {  	[tilespmem:$0x1F0E0] =	vst v60;
	v60 =	vld [tilespmem:$0x1D80];
	_ =	sdelay $0x4  }
0xd8: {  	[tilespmem:$0x1F0F0] =	vst v60;
	v60 =	vld [tilespmem:$0xD90];
	_ =	sdelay $0x4  }
0xd9: {  	[tilespmem:$0x1F100] =	vst v60;
	v60 =	vld [tilespmem:$0x1D90];
	_ =	sdelay $0x4  }
0xda: {  	[tilespmem:$0x1F110] =	vst v60;
	v60 =	vld [tilespmem:$0xDA0];
	_ =	sdelay $0x4  }
0xdb: {  	[tilespmem:$0x1F120] =	vst v60;
	v60 =	vld [tilespmem:$0x1DA0];
	_ =	sdelay $0x4  }
0xdc: {  	[tilespmem:$0x1F130] =	vst v60;
	v60 =	vld [tilespmem:$0xDB0];
	_ =	sdelay $0x4  }
0xdd: {  	[tilespmem:$0x1F140] =	vst v60;
	v60 =	vld [tilespmem:$0x1DB0];
	_ =	sdelay $0x4  }
0xde: {  	[tilespmem:$0x1F150] =	vst v60;
	v60 =	vld [tilespmem:$0xDC0];
	_ =	sdelay $0x4  }
0xdf: {  	[tilespmem:$0x1F160] =	vst v60;
	v60 =	vld [tilespmem:$0x1DC0];
	_ =	sdelay $0x4  }
0xe0: {  	[tilespmem:$0x1F170] =	vst v60;
	v60 =	vld [tilespmem:$0xDD0];
	_ =	sdelay $0x4  }
0xe1: {  	[tilespmem:$0x1F180] =	vst v60;
	v60 =	vld [tilespmem:$0x1DD0];
	_ =	sdelay $0x4  }
0xe2: {  	[tilespmem:$0x1F190] =	vst v60;
	v60 =	vld [tilespmem:$0xDE0];
	_ =	sdelay $0x4  }
0xe3: {  	[tilespmem:$0x1F1E0] =	vst v60;
	v60 =	vld [tilespmem:$0x1DE0];
	_ =	sdelay $0x4  }
0xe4: {  	[tilespmem:$0x1F1F0] =	vst v60;
	v60 =	vld [tilespmem:$0xDF0];
	_ =	sdelay $0x4  }
0xe5: {  	[tilespmem:$0x1F5A0] =	vst v60;
	v60 =	vld [tilespmem:$0x1DF0];
	_ =	sdelay $0x4  }
0xe6: {  	[tilespmem:$0x1F5B0] =	vst v60;
	v60 =	vld [tilespmem:$0x200];
	_ =	sdelay $0x4  }
0xe7: {  	[tilespmem:$0x1F1A0] =	vst v60;
	v60 =	vld [tilespmem:$0x1200];
	_ =	sdelay $0x4  }
0xe8: {  	[tilespmem:$0x1F1B0] =	vst v60;
	v60 =	vld [tilespmem:$0x210];
	_ =	sdelay $0x4  }
0xe9: {  	[tilespmem:$0x1F1C0] =	vst v60;
	v60 =	vld [tilespmem:$0x1210];
	_ =	sdelay $0x4  }
0xea: {  	[tilespmem:$0x1F1D0] =	vst v60;
	v60 =	vld [tilespmem:$0x220];
	_ =	sdelay $0x4  }
0xeb: {  	[tilespmem:$0x1F220] =	vst v60;
	v60 =	vld [tilespmem:$0x1220];
	_ =	sdelay $0x4  }
0xec: {  	[tilespmem:$0x1F230] =	vst v60;
	v60 =	vld [tilespmem:$0x230];
	_ =	sdelay $0x4  }
0xed: {  	[tilespmem:$0x1F260] =	vst v60;
	v60 =	vld [tilespmem:$0x1230];
	_ =	sdelay $0x4  }
0xee: {  	[tilespmem:$0x1F270] =	vst v60;
	v60 =	vld [tilespmem:$0x240];
	_ =	sdelay $0x4  }
0xef: {  	[tilespmem:$0x1F200] =	vst v60;
	v60 =	vld [tilespmem:$0x1240];
	_ =	sdelay $0x4  }
0xf0: {  	[tilespmem:$0x1F210] =	vst v60;
	v60 =	vld [tilespmem:$0x250];
	_ =	sdelay $0x4  }
0xf1: {  	[tilespmem:$0x1F240] =	vst v60;
	v60 =	vld [tilespmem:$0x1250];
	_ =	sdelay $0x4  }
0xf2: {  	[tilespmem:$0x1F250] =	vst v60;
	v60 =	vld [tilespmem:$0x260];
	_ =	sdelay $0x4  }
0xf3: {  	[tilespmem:$0x1F280] =	vst v60;
	v60 =	vld [tilespmem:$0x1260];
	_ =	sdelay $0x4  }
0xf4: {  	[tilespmem:$0x1F290] =	vst v60;
	v60 =	vld [tilespmem:$0x270];
	_ =	sdelay $0x4  }
0xf5: {  	[tilespmem:$0x1F2A0] =	vst v60;
	v60 =	vld [tilespmem:$0x1270];
	_ =	sdelay $0x4  }
0xf6: {  	[tilespmem:$0x1F2B0] =	vst v60;
	v60 =	vld [tilespmem:$0x600];
	_ =	sdelay $0x4  }
0xf7: {  	[tilespmem:$0x1F2C0] =	vst v60;
	v60 =	vld [tilespmem:$0x1600];
	_ =	sdelay $0x4  }
0xf8: {  	[tilespmem:$0x1F2D0] =	vst v60;
	v60 =	vld [tilespmem:$0x610];
	_ =	sdelay $0x4  }
0xf9: {  	[tilespmem:$0x1F2E0] =	vst v60;
	v60 =	vld [tilespmem:$0x1610];
	_ =	sdelay $0x4  }
0xfa: {  	[tilespmem:$0x1F2F0] =	vst v60;
	v60 =	vld [tilespmem:$0x620];
	_ =	sdelay $0x4  }
0xfb: {  	[tilespmem:$0x1F300] =	vst v60;
	v60 =	vld [tilespmem:$0x1620];
	_ =	sdelay $0x4  }
0xfc: {  	[tilespmem:$0x1F310] =	vst v60;
	v60 =	vld [tilespmem:$0x630];
	_ =	sdelay $0x4  }
0xfd: {  	[tilespmem:$0x1F320] =	vst v60;
	v60 =	vld [tilespmem:$0x1630];
	_ =	sdelay $0x4  }
0xfe: {  	[tilespmem:$0x1F330] =	vst v60;
	v60 =	vld [tilespmem:$0x640];
	_ =	sdelay $0x4  }
0xff: {  	[tilespmem:$0x1F340] =	vst v60;
	v60 =	vld [tilespmem:$0x1640];
	_ =	sdelay $0x4  }
0x100: {  	[tilespmem:$0x1F350] =	vst v60;
	v60 =	vld [tilespmem:$0x650];
	_ =	sdelay $0x4  }
0x101: {  	[tilespmem:$0x1F360] =	vst v60;
	v60 =	vld [tilespmem:$0x1650];
	_ =	sdelay $0x4  }
0x102: {  	[tilespmem:$0x1F370] =	vst v60;
	v60 =	vld [tilespmem:$0x660];
	_ =	sdelay $0x4  }
0x103: {  	[tilespmem:$0x1F380] =	vst v60;
	v60 =	vld [tilespmem:$0x1660];
	_ =	sdelay $0x4  }
0x104: {  	[tilespmem:$0x1F390] =	vst v60;
	v60 =	vld [tilespmem:$0x670];
	_ =	sdelay $0x4  }
0x105: {  	[tilespmem:$0x1F3A0] =	vst v60;
	v60 =	vld [tilespmem:$0x1670];
	_ =	sdelay $0x4  }
0x106: {  	[tilespmem:$0x1F3B0] =	vst v60;
	v60 =	vld [tilespmem:$0xA00];
	_ =	sdelay $0x4  }
0x107: {  	[tilespmem:$0x1F3C0] =	vst v60;
	v60 =	vld [tilespmem:$0x1A00];
	_ =	sdelay $0x4  }
0x108: {  	[tilespmem:$0x1F3D0] =	vst v60;
	v60 =	vld [tilespmem:$0xA10];
	_ =	sdelay $0x4  }
0x109: {  	[tilespmem:$0x1F3E0] =	vst v60;
	v60 =	vld [tilespmem:$0x1A10];
	_ =	sdelay $0x4  }
0x10a: {  	[tilespmem:$0x1F3F0] =	vst v60;
	v60 =	vld [tilespmem:$0xA20];
	_ =	sdelay $0x4  }
0x10b: {  	[tilespmem:$0x1F400] =	vst v60;
	v60 =	vld [tilespmem:$0x1A20];
	_ =	sdelay $0x4  }
0x10c: {  	[tilespmem:$0x1F410] =	vst v60;
	v60 =	vld [tilespmem:$0xA30];
	_ =	sdelay $0x4  }
0x10d: {  	[tilespmem:$0x1F420] =	vst v60;
	v60 =	vld [tilespmem:$0x1A30];
	_ =	sdelay $0x4  }
0x10e: {  	[tilespmem:$0x1F430] =	vst v60;
	v60 =	vld [tilespmem:$0xA40];
	_ =	sdelay $0x4  }
0x10f: {  	[tilespmem:$0x1F440] =	vst v60;
	v60 =	vld [tilespmem:$0x1A40];
	_ =	sdelay $0x4  }
0x110: {  	[tilespmem:$0x1F450] =	vst v60;
	v60 =	vld [tilespmem:$0xA50];
	_ =	sdelay $0x4  }
0x111: {  	[tilespmem:$0x1F460] =	vst v60;
	v60 =	vld [tilespmem:$0x1A50];
	_ =	sdelay $0x4  }
0x112: {  	[tilespmem:$0x1F470] =	vst v60;
	v60 =	vld [tilespmem:$0xA60];
	_ =	sdelay $0x4  }
0x113: {  	[tilespmem:$0x1F480] =	vst v60;
	v60 =	vld [tilespmem:$0x1A60];
	_ =	sdelay $0x4  }
0x114: {  	[tilespmem:$0x1F490] =	vst v60;
	v60 =	vld [tilespmem:$0xA70];
	_ =	sdelay $0x4  }
0x115: {  	[tilespmem:$0x1F4E0] =	vst v60;
	v60 =	vld [tilespmem:$0x1A70];
	_ =	sdelay $0x4  }
0x116: {  	[tilespmem:$0x1F4F0] =	vst v60;
	v60 =	vld [tilespmem:$0xE00];
	_ =	sdelay $0x4  }
0x117: {  	[tilespmem:$0x1F4A0] =	vst v60;
	v60 =	vld [tilespmem:$0x1E00];
	_ =	sdelay $0x4  }
0x118: {  	[tilespmem:$0x1F4B0] =	vst v60;
	v60 =	vld [tilespmem:$0xE10];
	_ =	sdelay $0x4  }
0x119: {  	[tilespmem:$0x1F4C0] =	vst v60;
	v60 =	vld [tilespmem:$0x1E10];
	_ =	sdelay $0x4  }
0x11a: {  	[tilespmem:$0x1F4D0] =	vst v60;
	v60 =	vld [tilespmem:$0xE20];
	_ =	sdelay $0x4  }
0x11b: {  	[tilespmem:$0x1F500] =	vst v60;
	v60 =	vld [tilespmem:$0x1E20];
	_ =	sdelay $0x4  }
0x11c: {  	[tilespmem:$0x1F510] =	vst v60;
	v60 =	vld [tilespmem:$0xE30];
	_ =	sdelay $0x4  }
0x11d: {  	[tilespmem:$0x1F560] =	vst v60;
	v60 =	vld [tilespmem:$0x1E30];
	_ =	sdelay $0x4  }
0x11e: {  	[tilespmem:$0x1F570] =	vst v60;
	v60 =	vld [tilespmem:$0xE40];
	_ =	sdelay $0x4  }
0x11f: {  	[tilespmem:$0x1F520] =	vst v60;
	v60 =	vld [tilespmem:$0x1E40];
	_ =	sdelay $0x4  }
0x120: {  	[tilespmem:$0x1F530] =	vst v60;
	v60 =	vld [tilespmem:$0xE50];
	_ =	sdelay $0x4  }
0x121: {  	[tilespmem:$0x1F540] =	vst v60;
	v60 =	vld [tilespmem:$0x1E50];
	_ =	sdelay $0x4  }
0x122: {  	[tilespmem:$0x1F550] =	vst v60;
	v60 =	vld [tilespmem:$0xE60];
	_ =	sdelay $0x4  }
0x123: {  	[tilespmem:$0x1F580] =	vst v60;
	v60 =	vld [tilespmem:$0x1E60];
	_ =	sdelay $0x4  }
0x124: {  	[tilespmem:$0x1F590] =	vst v60;
	v60 =	vld [tilespmem:$0xE70];
	_ =	sdelay $0x4  }
0x125: {  	[tilespmem:$0x1F5C0] =	vst v60;
	v60 =	vld [tilespmem:$0x1E70];
	_ =	sdelay $0x4  }
0x126: {  	[tilespmem:$0x1F5D0] =	vst v60;
	v60 =	vld [tilespmem:$0x280];
	_ =	sdelay $0x4  }
0x127: {  	[tilespmem:$0x1F5E0] =	vst v60;
	v60 =	vld [tilespmem:$0x1280];
	_ =	sdelay $0x4  }
0x128: {  	[tilespmem:$0x1F5F0] =	vst v60;
	v60 =	vld [tilespmem:$0x290];
	_ =	sdelay $0x4  }
0x129: {  	[tilespmem:$0x1F600] =	vst v60;
	v60 =	vld [tilespmem:$0x1290];
	_ =	sdelay $0x4  }
0x12a: {  	[tilespmem:$0x1F610] =	vst v60;
	v60 =	vld [tilespmem:$0x2A0];
	_ =	sdelay $0x4  }
0x12b: {  	[tilespmem:$0x1F620] =	vst v60;
	v60 =	vld [tilespmem:$0x12A0];
	_ =	sdelay $0x4  }
0x12c: {  	[tilespmem:$0x1F630] =	vst v60;
	v60 =	vld [tilespmem:$0x2B0];
	_ =	sdelay $0x4  }
0x12d: {  	[tilespmem:$0x1F660] =	vst v60;
	v60 =	vld [tilespmem:$0x12B0];
	_ =	sdelay $0x4  }
0x12e: {  	[tilespmem:$0x1F670] =	vst v60;
	v60 =	vld [tilespmem:$0x2C0];
	_ =	sdelay $0x4  }
0x12f: {  	[tilespmem:$0x1F640] =	vst v60;
	v60 =	vld [tilespmem:$0x12C0];
	_ =	sdelay $0x4  }
0x130: {  	[tilespmem:$0x1F650] =	vst v60;
	v60 =	vld [tilespmem:$0x2D0];
	_ =	sdelay $0x4  }
0x131: {  	[tilespmem:$0x1F680] =	vst v60;
	v60 =	vld [tilespmem:$0x12D0];
	_ =	sdelay $0x4  }
0x132: {  	[tilespmem:$0x1F690] =	vst v60;
	v60 =	vld [tilespmem:$0x2E0];
	_ =	sdelay $0x4  }
0x133: {  	[tilespmem:$0x1F6A0] =	vst v60;
	v60 =	vld [tilespmem:$0x12E0];
	_ =	sdelay $0x4  }
0x134: {  	[tilespmem:$0x1F6B0] =	vst v60;
	v60 =	vld [tilespmem:$0x2F0];
	_ =	sdelay $0x4  }
0x135: {  	[tilespmem:$0x1F6C0] =	vst v60;
	v60 =	vld [tilespmem:$0x12F0];
	_ =	sdelay $0x4  }
0x136: {  	[tilespmem:$0x1F6D0] =	vst v60;
	v60 =	vld [tilespmem:$0x680];
	_ =	sdelay $0x4  }
0x137: {  	[tilespmem:$0x1F6E0] =	vst v60;
	v60 =	vld [tilespmem:$0x1680];
	_ =	sdelay $0x4  }
0x138: {  	[tilespmem:$0x1F6F0] =	vst v60;
	v60 =	vld [tilespmem:$0x690];
	_ =	sdelay $0x4  }
0x139: {  	[tilespmem:$0x1F700] =	vst v60;
	v60 =	vld [tilespmem:$0x1690];
	_ =	sdelay $0x4  }
0x13a: {  	[tilespmem:$0x1F710] =	vst v60;
	v60 =	vld [tilespmem:$0x6A0];
	_ =	sdelay $0x4  }
0x13b: {  	[tilespmem:$0x1F720] =	vst v60;
	v60 =	vld [tilespmem:$0x16A0];
	_ =	sdelay $0x4  }
0x13c: {  	[tilespmem:$0x1F730] =	vst v60;
	v60 =	vld [tilespmem:$0x6B0];
	_ =	sdelay $0x4  }
0x13d: {  	[tilespmem:$0x1F740] =	vst v60;
	v60 =	vld [tilespmem:$0x16B0];
	_ =	sdelay $0x4  }
0x13e: {  	[tilespmem:$0x1F750] =	vst v60;
	v60 =	vld [tilespmem:$0x1E90];
	_ =	sdelay $0x4  }
0x13f: {  	[tilespmem:$0x1F900] =	vst v60;
	v60 =	vld [tilespmem:$0x6C0];
	_ =	sdelay $0x4  }
0x140: {  	[tilespmem:$0x1F760] =	vst v60;
	v60 =	vld [tilespmem:$0x16C0];
	_ =	sdelay $0x4  }
0x141: {  	[tilespmem:$0x1F770] =	vst v60;
	v60 =	vld [tilespmem:$0x1AB0];
	_ =	sdelay $0x4  }
0x142: {  	[tilespmem:$0x1F840] =	vst v60;
	v60 =	vld [tilespmem:$0x6D0];
	_ =	sdelay $0x4  }
0x143: {  	[tilespmem:$0x1F780] =	vst v60;
	v60 =	vld [tilespmem:$0x16D0];
	_ =	sdelay $0x4  }
0x144: {  	[tilespmem:$0x1F790] =	vst v60;
	v60 =	vld [tilespmem:$0x6E0];
	_ =	sdelay $0x4  }
0x145: {  	[tilespmem:$0x1F7A0] =	vst v60;
	v60 =	vld [tilespmem:$0x16E0];
	_ =	sdelay $0x4  }
0x146: {  	[tilespmem:$0x1F7B0] =	vst v60;
	v60 =	vld [tilespmem:$0xA90];
	_ =	sdelay $0x4  }
0x147: {  	[tilespmem:$0x1F800] =	vst v60;
	v60 =	vld [tilespmem:$0x1A90];
	_ =	sdelay $0x4  }
0x148: {  	[tilespmem:$0x1F810] =	vst v60;
	v60 =	vld [tilespmem:$0x6F0];
	_ =	sdelay $0x4  }
0x149: {  	[tilespmem:$0x1F7C0] =	vst v60;
	v60 =	vld [tilespmem:$0x16F0];
	_ =	sdelay $0x4  }
0x14a: {  	[tilespmem:$0x1F7D0] =	vst v60;
	v60 =	vld [tilespmem:$0xA80];
	_ =	sdelay $0x4  }
0x14b: {  	[tilespmem:$0x1F7E0] =	vst v60;
	v60 =	vld [tilespmem:$0x1A80];
	_ =	sdelay $0x4  }
0x14c: {  	[tilespmem:$0x1F7F0] =	vst v60;
	v60 =	vld [tilespmem:$0xAA0];
	_ =	sdelay $0x4  }
0x14d: {  	[tilespmem:$0x1F820] =	vst v60;
	v60 =	vld [tilespmem:$0x1AA0];
	_ =	sdelay $0x4  }
0x14e: {  	[tilespmem:$0x1F830] =	vst v60;
	v60 =	vld [tilespmem:$0xF20];
	_ =	sdelay $0x4  }
0x14f: {  	[tilespmem:$0x1FB90] =	vst v60;
	v60 =	vld [tilespmem:$0xAB0];
	_ =	sdelay $0x4  }
0x150: {  	[tilespmem:$0x1F850] =	vst v60;
	v60 =	vld [tilespmem:$0xAC0];
	_ =	sdelay $0x4  }
0x151: {  	[tilespmem:$0x1F860] =	vst v60;
	v60 =	vld [tilespmem:$0x1AC0];
	_ =	sdelay $0x4  }
0x152: {  	[tilespmem:$0x1F870] =	vst v60;
	v60 =	vld [tilespmem:$0xAD0];
	_ =	sdelay $0x4  }
0x153: {  	[tilespmem:$0x1F880] =	vst v60;
	v60 =	vld [tilespmem:$0x1AD0];
	_ =	sdelay $0x4  }
0x154: {  	[tilespmem:$0x1F890] =	vst v60;
	v60 =	vld [tilespmem:$0x1B60];
	_ =	sdelay $0x4  }
0x155: {  	[tilespmem:$0x1FB10] =	vst v60;
	v60 =	vld [tilespmem:$0xAE0];
	_ =	sdelay $0x4  }
0x156: {  	[tilespmem:$0x1F8A0] =	vst v60;
	v60 =	vld [tilespmem:$0xB40];
	_ =	sdelay $0x4  }
0x157: {  	[tilespmem:$0x1FAE0] =	vst v60;
	v60 =	vld [tilespmem:$0xB50];
	_ =	sdelay $0x4  }
0x158: {  	[tilespmem:$0x1FB00] =	vst v60;
	v60 =	vld [tilespmem:$0x1AE0];
	_ =	sdelay $0x4  }
0x159: {  	[tilespmem:$0x1F8B0] =	vst v60;
	v60 =	vld [tilespmem:$0xAF0];
	_ =	sdelay $0x4  }
0x15a: {  	[tilespmem:$0x1F8C0] =	vst v60;
	v60 =	vld [tilespmem:$0x1AF0];
	_ =	sdelay $0x4  }
0x15b: {  	[tilespmem:$0x1F8D0] =	vst v60;
	v60 =	vld [tilespmem:$0xE80];
	_ =	sdelay $0x4  }
0x15c: {  	[tilespmem:$0x1F8E0] =	vst v60;
	v60 =	vld [tilespmem:$0x1B00];
	_ =	sdelay $0x4  }
0x15d: {  	[tilespmem:$0x1FAD0] =	vst v60;
	v60 =	vld [tilespmem:$0x1E80];
	_ =	sdelay $0x4  }
0x15e: {  	[tilespmem:$0x1F8F0] =	vst v60;
	v60 =	vld [tilespmem:$0x1750];
	_ =	sdelay $0x4  }
0x15f: {  	[tilespmem:$0x1FAA0] =	vst v60;
	v60 =	vld [tilespmem:$0x1760];
	_ =	sdelay $0x4  }
0x160: {  	[tilespmem:$0x1FAC0] =	vst v60;
	v60 =	vld [tilespmem:$0x750];
	_ =	sdelay $0x4  }
0x161: {  	[tilespmem:$0x1FAB0] =	vst v60;
	v60 =	vld [tilespmem:$0xE90];
	_ =	sdelay $0x4  }
0x162: {  	[tilespmem:$0x1F910] =	vst v60;
	v60 =	vld [tilespmem:$0xEA0];
	_ =	sdelay $0x4  }
0x163: {  	[tilespmem:$0x1F920] =	vst v60;
	v60 =	vld [tilespmem:$0x1EA0];
	_ =	sdelay $0x4  }
0x164: {  	[tilespmem:$0x1F930] =	vst v60;
	v60 =	vld [tilespmem:$0xEB0];
	_ =	sdelay $0x4  }
0x165: {  	[tilespmem:$0x1F940] =	vst v60;
	v60 =	vld [tilespmem:$0x710];
	_ =	sdelay $0x4  }
0x166: {  	[tilespmem:$0x1FA90] =	vst v60;
	v60 =	vld [tilespmem:$0x330];
	_ =	sdelay $0x4  }
0x167: {  	[tilespmem:$0x1FA50] =	vst v60;
	v60 =	vld [tilespmem:$0x1EB0];
	_ =	sdelay $0x4  }
0x168: {  	[tilespmem:$0x1F950] =	vst v60;
	v60 =	vld [tilespmem:$0xEC0];
	_ =	sdelay $0x4  }
0x169: {  	[tilespmem:$0x1F960] =	vst v60;
	v60 =	vld [tilespmem:$0x1EC0];
	_ =	sdelay $0x4  }
0x16a: {  	[tilespmem:$0x1F970] =	vst v60;
	v60 =	vld [tilespmem:$0x350];
	_ =	sdelay $0x4  }
0x16b: {  	[tilespmem:$0x1FA30] =	vst v60;
	v60 =	vld [tilespmem:$0x1360];
	_ =	sdelay $0x1  }
0x16c: {  	v4 =	vmul.f32 v4, v8  }
0x16d: {  	v5 =	vmul.f32 v5, v9;
	v6 =	vmul.f32 v6, v10;
	v10 =	vld [tilespmem:$0x340]  }
0x16e: {  	v0 =	vmul.f32 v0, v1;
	v9 =	vadd.f32 $0.0e+00, v4;
	v4 =	vmul.f32 v12, v14;
	v12 =	vld [tilespmem:$0x1340]  }
0x16f: {  	[tilespmem:$0x1FA70] =	vst v60;
	v60 =	vld [tilespmem:$0x1EE0]  }
0x170: {  	v0 =	vadd.f32 v0, v9;
	v9 =	vmul.f32 v7, v11;
	v11 =	vld [tilespmem:$0x1350]  }
0x171: {  	v14 =	vmul.f32 v13, v15;
	v15 =	vld [tilespmem:$0x360]  }
0x172: {  	v21 =	vmul.f32 v16, v21;
	v16 =	vld [tilespmem:$0x370]  }
0x173: {  	v20 =	vmul.f32 v20, v24;
	v24 =	vmul.f32 v17, v19;
	v17 =	vld [tilespmem:$0x1370]  }
0x174: {  	[tilespmem:$0x1F9E0] =	vst v60;
	v60 =	vld [tilespmem:$0xED0]  }
0x175: {  	v22 =	vmul.f32 v18, v22;
	v18 =	vld [tilespmem:$0x700]  }
0x176: {  	v4 =	vadd.f32 $0.0e+00, v4;
	v19 =	vld [tilespmem:$0x1700]  }
0x177: {  	v0 =	vadd.f32 v20, v0;
	v20 =	vld [tilespmem:$0x1710]  }
0x178: {  	v2 =	vmul.f32 v2, v3;
	v25 =	vmul.f32 v23, v25;
	v3 =	vadd.f32 v14, v4;
	v23 =	vld [tilespmem:$0x730]  }
0x179: {  	[tilespmem:$0x1F980] =	vst v60;
	v60 =	vld [tilespmem:$0x1ED0]  }
0x17a: {  	v3 =	vadd.f32 v24, v3;
	v24 =	vld [tilespmem:$0x1730]  }
0x17b: {  	v0 =	vadd.f32 v25, v0;
	v25 =	vld [tilespmem:$0x740]  }
0x17c: {  	v31 =	vmul.f32 v31, v36;
	v36 =	vmul.f32 v26, v29;
	v26 =	vld [tilespmem:$0x1740]  }
0x17d: {  	v30 =	vmul.f32 v27, v30;
	v27 =	vld [tilespmem:$0x760]  }
0x17e: {  	[tilespmem:$0x1F990] =	vst v60;
	v60 =	vld [tilespmem:$0xEE0]  }
0x17f: {  	v32 =	vmul.f32 v28, v32;
	v28 =	vld [tilespmem:$0x770]  }
0x180: {  	v13 =	vld [tilespmem:$0x1E9F0]  }
0x181: {  	v14 =	vld [tilespmem:$0x1EA00]  }
0x182: {  	v29 =	vld [tilespmem:$0x1770]  }
0x183: {  	[tilespmem:$0x1F9F0] =	vst v60;
	v60 =	vld [tilespmem:$0x310]  }
0x184: {  	v34 =	vmul.f32 v33, v34;
	v3 =	vadd.f32 v32, v3;
	v32 =	vld [tilespmem:$0x1EA10]  }
0x185: {  	v33 =	vld [tilespmem:$0x1EA20]  }
0x186: {  	v39 =	vmul.f32 v39, v45;
	v0 =	vadd.f32 v34, v0;
	v34 =	vld [tilespmem:$0x1EA30]  }
0x187: {  	v41 =	vmul.f32 v41, v50;
	v45 =	vmul.f32 v40, v42;
	v40 =	vld [tilespmem:$0x1EA40]  }
0x188: {  	[tilespmem:$0x1F9C0] =	vst v60;
	v60 =	vld [tilespmem:$0xEF0]  }
0x189: {  	v0 =	vadd.f32 v41, v0;
	v41 =	vld [tilespmem:$0x1EA50]  }
0x18a: {  	v50 =	vmul.f32 v43, v46;
	v43 =	vld [tilespmem:$0x1EA60]  }
0x18b: {  	v46 =	vld [tilespmem:$0x1B20]  }
0x18c: {  	v8 =	vmul.f32 v47, v52;
	v47 =	vld [tilespmem:$0x1EA90]  }
0x18d: {  	[tilespmem:$0x1FC30] =	vst v60;
	v60 =	vld [tilespmem:$0x1EF0]  }
0x18e: {  	v37 =	vmul.f32 v35, v37;
	v35 =	vmul.f32 v49, v54;
	v49 =	vld [tilespmem:$0xB30]  }
0x18f: {  	v42 =	vmul.f32 v51, v59;
	v51 =	vld [tilespmem:$0x1EAC0]  }
0x190: {  	v52 =	vld [tilespmem:$0x1EAD0]  }
0x191: {  	v54 =	vld [tilespmem:$0x1EAF0]  }
0x192: {  	[tilespmem:$0x1FC40] =	vst v60;
	v60 =	vld [tilespmem:$0x1310]  }
0x193: {  	v59 =	vld [tilespmem:$0x1B40]  }
0x194: {  	v3 =	vadd.f32 v39, v3;
	v39 =	vld [tilespmem:$0x1B70]  }
0x195: {  	[tilespmem:$0x1FA80] =	vst v15;
	v15 =	vmul.f32 v48, v53;
	v48 =	vld [tilespmem:$0x1EAA0]  }
0x196: {  	v53 =	vld [tilespmem:$0x1EAE0]  }
0x197: {  	[tilespmem:$0x1F9D0] =	vst v60;
	v60 =	vld [tilespmem:$0x300]  }
0x198: {  	[tilespmem:$0x1FA40] =	vst v11;
	v11 =	vmul.f32 v56, v62;
	v56 =	vld [tilespmem:$0x1EB10]  }
0x199: {  	v7 =	vmul.f32 v57, v14;
	v57 =	vld [tilespmem:$0x1EB20]  }
0x19a: {  	v62 =	vld [tilespmem:$0xB60]  }
0x19b: {  	v14 =	vld [tilespmem:$0x1EB80]  }
0x19c: {  	[tilespmem:$0x1F9A0] =	vst v60;
	v60 =	vld [tilespmem:$0x1300]  }
0x19d: {  	[tilespmem:$0x1FA00] =	vst v10;
	v10 =	vadd.f32 $0.0e+00, v6;
	v6 =	vmul.f32 v34, v33;
	v33 =	vld [tilespmem:$0x1EBA0]  }
0x19e: {  	v34 =	vld [tilespmem:$0x1EBB0]  }
0x19f: {  	v0 =	vadd.f32 v8, v0;
	v8 =	vmul.f32 v41, v40;
	v40 =	vld [tilespmem:$0x1EBE0]  }
0x1a0: {  	v41 =	vld [tilespmem:$0x1EBF0]  }
0x1a1: {  	v1 =	vadd.f32 v9, v10;
	[tilespmem:$0x1F9B0] =	vst v60;
	v60 =	vld [tilespmem:$0x320]  }
0x1a2: {  	[tilespmem:$0x1FAF0] =	vst v59;
	v59 =	vld [tilespmem:$0x1F10]  }
0x1a3: {  	[tilespmem:$0x1FB80] =	vst v39;
	v39 =	vld [tilespmem:$0x1ED30];
	v1 =	vadd.f32 v22, v1  }
0x1a4: {  	v9 =	vld [tilespmem:$0x1E9D0]  }
0x1a5: {  	v10 =	vld [tilespmem:$0x1E9E0];
	v1 =	vadd.f32 v31, v1  }
0x1a6: {  	[tilespmem:$0x1FA10] =	vst v60;
	v60 =	vld [tilespmem:$0x1320]  }
0x1a7: {  	v22 =	vld [tilespmem:$0x1720];
	v1 =	vadd.f32 v37, v1  }
0x1a8: {  	[tilespmem:$0x1FB20] =	vst v62;
	v62 =	vld [tilespmem:$0x1F20]  }
0x1a9: {  	v1 =	vadd.f32 v50, v1;
	v50 =	vld [tilespmem:$0x1EAB0]  }
0x1aa: {  	v31 =	vld [tilespmem:$0xB10]  }
0x1ab: {  	[tilespmem:$0x1FA20] =	vst v60;
	v60 =	vld [tilespmem:$0x1330]  }
0x1ac: {  	v4 =	vmul.f32 v55, v9;
	v55 =	vld [tilespmem:$0x1EB00]  }
0x1ad: {  	v37 =	vld [tilespmem:$0x1EBD0]  }
0x1ae: {  	v9 =	vmul.f32 v50, v48;
	v50 =	vld [tilespmem:$0x1B30]  }
0x1af: {  	v48 =	vld [tilespmem:$0x1EC30]  }
0x1b0: {  	[tilespmem:$0x1FA60] =	vst v60;
	v60 =	vadd.f32 $0.0e+00, v5;
	v5 =	vmul.f32 v61, v10;
	v10 =	vmul.f32 v52, v51;
	v51 =	vld [tilespmem:$0x1B50]  }
0x1b1: {  	v61 =	vld [tilespmem:$0x1EB50]  }
0x1b2: {  	v52 =	vld [tilespmem:$0x1EC40]  }
0x1b3: {  	v2 =	vadd.f32 v2, v60;
	v60 =	vmul.f32 v38, v44;
	v38 =	vld [tilespmem:$0xB20]  }
0x1b4: {  	v44 =	vld [tilespmem:$0x1EA70]  }
0x1b5: {  	v1 =	vadd.f32 v5, v1;
	v5 =	vadd.f32 $0.0e+00, v15;
	v15 =	vld [tilespmem:$0x1EB90]  }
0x1b6: {  	v2 =	vadd.f32 v21, v2;
	v21 =	vld [tilespmem:$0x720]  }
0x1b7: {  	v3 =	vadd.f32 v60, v3;
	v60 =	vld [tilespmem:$0x1EB40]  }
0x1b8: {  	v5 =	vadd.f32 v35, v5;
	v35 =	vld [tilespmem:$0x1EBC0]  }
0x1b9: {  	v2 =	vadd.f32 v30, v2;
	v30 =	vld [tilespmem:$0xB00]  }
0x1ba: {  	v3 =	vadd.f32 v11, v3;
	v11 =	vmul.f32 v56, v55;
	v55 =	vld [tilespmem:$0x1EC60]  }
0x1bb: {  	v56 =	vld [tilespmem:$0x1EC70]  }
0x1bc: {  	v1 =	vadd.f32 v6, v1;
	v6 =	vmul.f32 v44, v43;
	v43 =	vld [tilespmem:$0x1EC00]  }
0x1bd: {  	v44 =	vld [tilespmem:$0x1EC10]  }
0x1be: {  	v5 =	vadd.f32 v10, v5;
	v10 =	vmul.f32 v15, v14;
	v14 =	vld [tilespmem:$0x1F30];
	v2 =	vadd.f32 v36, v2  }
0x1bf: {  	v15 =	vld [tilespmem:$0x1ECE0]  }
0x1c0: {  	v36 =	vld [tilespmem:$0x1B10];
	v2 =	vadd.f32 v45, v2  }
0x1c1: {  	v45 =	vld [tilespmem:$0x1EA80]  }
0x1c2: {  	v2 =	vadd.f32 v4, v2;
	v4 =	vmul.f32 v63, v13;
	v63 =	vld [tilespmem:$0x1EB60]  }
0x1c3: {  	v13 =	vld [tilespmem:$0x1EB70]  }
0x1c4: {  	v0 =	vadd.f32 v4, v0;
	v4 =	vmul.f32 v58, v32;
	v58 =	vld [tilespmem:$0x1EB30]  }
0x1c5: {  	v32 =	vld [tilespmem:$0xB70]  }
0x1c6: {  	v8 =	vadd.f32 $0.0e+00, v8;
	v2 =	vadd.f32 v7, v2;
	v7 =	vmul.f32 v47, v45;
	v45 =	vld [tilespmem:$0xF10]  }
0x1c7: {  	v47 =	vld [tilespmem:$0x1EC20]  }
0x1c8: {  	v4 =	vadd.f32 $0.0e+00, v4;
	v7 =	vadd.f32 v7, v8;
	v8 =	vmul.f32 v54, v53;
	v53 =	vld [tilespmem:$0x1EC50]  }
0x1c9: {  	v6 =	vadd.f32 $0.0e+00, v6;
	v54 =	vld [tilespmem:$0xF00]  }
0x1ca: {  	v4 =	vadd.f32 v42, v4;
	v42 =	vld [tilespmem:$0x1F00]  }
0x1cb: {  	v6 =	vadd.f32 v9, v6;
	v9 =	vmul.f32 v58, v57;
	v57 =	vld [tilespmem:$0x1EC80]  }
0x1cc: {  	v58 =	vld [tilespmem:$0x1EC90]  }
0x1cd: {  	[tilespmem:$0x1FB70] =	vst v32;
	v32 =	vld [tilespmem:$0x1ECF0]  }
0x1ce: {  	v7 =	vadd.f32 v11, v7;
	v11 =	vmul.f32 v37, v35;
	v35 =	vld [tilespmem:$0xF30]  }
0x1cf: {  	v37 =	vld [tilespmem:$0x1ED20]  }
0x1d0: {  	v4 =	vadd.f32 v8, v4;
	v8 =	vmul.f32 v61, v60;
	v60 =	vld [tilespmem:$0x1ECA0]  }
0x1d1: {  	v61 =	vld [tilespmem:$0x1ECB0]  }
0x1d2: {  	[tilespmem:$0x1FB50] =	vst v45;
	v45 =	vld [tilespmem:$0x1F40]  }
0x1d3: {  	v6 =	vadd.f32 v9, v6;
	v9 =	vmul.f32 v13, v63;
	v63 =	vld [tilespmem:$0x1ECC0]  }
0x1d4: {  	[tilespmem:$0x1FB60] =	vst v59;
	v13 =	vld [tilespmem:$0x1ECD0]  }
0x1d5: {  	[tilespmem:$0x1FBA0] =	vst v62;
	v5 =	vadd.f32 v8, v5;
	v8 =	vmul.f32 v34, v33;
	v33 =	vld [tilespmem:$0x1ED00]  }
0x1d6: {  	[tilespmem:$0x1FB30] =	vst v42;
	v42 =	vld [tilespmem:$0xF40]  }
0x1d7: {  	[tilespmem:$0x1FBF0] =	vst v14;
	v34 =	vld [tilespmem:$0x1ED10]  }
0x1d8: {  	[tilespmem:$0x1FB40] =	vst v54;
	v4 =	vadd.f32 v9, v4;
	v9 =	vmul.f32 v41, v40;
	v40 =	vld [tilespmem:$0x1ED40]  }
0x1d9: {  	v41 =	vld [tilespmem:$0x1ED50];
	[tilespmem:$0x1FC00] =	vst v35  }
0x1da: {  	v6 =	vadd.f32 v8, v6;
	v8 =	vmul.f32 v44, v43;
	v43 =	vld [tilespmem:$0x1ED60];
	[tilespmem:$0x1FBC0] =	vst v45  }
0x1db: {  	v44 =	vld [tilespmem:$0x1ED70];
	[tilespmem:$0x1FBB0] =	vst v42  }
0x1dc: {  	v4 =	vadd.f32 v9, v4;
	v9 =	vmul.f32 v48, v47;
	v47 =	vld [tilespmem:$0x1ED80]  }
0x1dd: {  	v48 =	vld [tilespmem:$0x1ED90]  }
0x1de: {  	v7 =	vadd.f32 v10, v7;
	v10 =	vmul.f32 v53, v52;
	v52 =	vld [tilespmem:$0xF50]  }
0x1df: {  	v53 =	vld [tilespmem:$0x1EDA0]  }
0x1e0: {  	v54 =	vld [tilespmem:$0x1EDB0]  }
0x1e1: {  	v7 =	vadd.f32 v8, v7;
	v8 =	vmul.f32 v56, v55;
	v56 =	vld [tilespmem:$0x1F50]  }
0x1e2: {  	v5 =	vadd.f32 v11, v5;
	v11 =	vmul.f32 v58, v57;
	v58 =	vld [tilespmem:$0x1EDC0]  }
0x1e3: {  	v59 =	vld [tilespmem:$0x1EDD0]  }
0x1e4: {  	v6 =	vadd.f32 v9, v6;
	v9 =	vmul.f32 v61, v60;
	v60 =	vld [tilespmem:$0xF60]  }
0x1e5: {  	v61 =	vld [tilespmem:$0x1F60]  }
0x1e6: {  	v14 =	vld [tilespmem:$0x1EE00]  }
0x1e7: {  	v5 =	vadd.f32 v10, v5;
	v10 =	vmul.f32 v32, v15;
	v15 =	vld [tilespmem:$0x1EE10]  }
0x1e8: {  	v32 =	vld [tilespmem:$0x380]  }
0x1e9: {  	v5 =	vadd.f32 v9, v5;
	v9 =	vmul.f32 v34, v33;
	v33 =	vld [tilespmem:$0x1EE20]  }
0x1ea: {  	v34 =	vld [tilespmem:$0x1EE30]  }
0x1eb: {  	v35 =	vld [tilespmem:$0x1EE40]  }
0x1ec: {  	v7 =	vadd.f32 v11, v7;
	v11 =	vmul.f32 v41, v40;
	v40 =	vld [tilespmem:$0x1380]  }
0x1ed: {  	v41 =	vld [tilespmem:$0x1EE60]  }
0x1ee: {  	v42 =	vld [tilespmem:$0x1EE70]  }
0x1ef: {  	v4 =	vadd.f32 v8, v4;
	v8 =	vmul.f32 v13, v63;
	v45 =	vld [tilespmem:$0x390]  }
0x1f0: {  	v16 =	vmul.f32 v17, v16;
	v17 =	vmul.f32 v19, v18;
	v18 =	vld [tilespmem:$0x1FA90]  }
0x1f1: {  	v4 =	vadd.f32 v8, v4;
	v8 =	vmul.f32 v39, v37;
	v37 =	vld [tilespmem:$0x1EE50]  }
0x1f2: {  	v7 =	vadd.f32 v9, v7;
	v9 =	vmul.f32 v44, v43;
	v43 =	vld [tilespmem:$0x1EE80]  }
0x1f3: {  	v6 =	vadd.f32 v10, v6;
	v44 =	vld [tilespmem:$0x1EE90]  }
0x1f4: {  	v4 =	vadd.f32 v11, v4;
	v11 =	vld [tilespmem:$0x1F70]  }
0x1f5: {  	v55 =	vadd.f32 v9, v6;
	v9 =	vld [tilespmem:$0x1EDE0]  }
0x1f6: {  	v5 =	vadd.f32 v8, v5;
	v8 =	vmul.f32 v48, v47;
	v47 =	vld [tilespmem:$0x1EEA0]  }
0x1f7: {  	v48 =	vld [tilespmem:$0x1EEB0]  }
0x1f8: {  	[tilespmem:$0x1FBD0] =	vst v52;
	v52 =	vld [tilespmem:$0x1390]  }
0x1f9: {  	v10 =	vmul.f32 v54, v53;
	v53 =	vld [tilespmem:$0x1EEC0]  }
0x1fa: {  	v54 =	vld [tilespmem:$0x1EED0]  }
0x1fb: {  	[tilespmem:$0x1FBE0] =	vst v56;
	v56 =	vld [tilespmem:$0x1EEE0]  }
0x1fc: {  	[tilespmem:$0x1FC10] =	vst v60;
	v60 =	vld [tilespmem:$0x13A0]  }
0x1fd: {  	v0 =	vadd.f32 v2, v0;
	[tilespmem:$0x1FC20] =	vst v61;
	v61 =	vld [tilespmem:$0x1EF20]  }
0x1fe: {  	[tilespmem:$0x1FC70] =	vst v32;
	v32 =	vld [tilespmem:$0x1EF70]  }
0x1ff: {  	v0 =	vadd.f32 v1, v0;
	v1 =	vmul.f32 v34, v33;
	v33 =	vld [tilespmem:$0x13B0]  }
0x200: {  	v34 =	vld [tilespmem:$0x1EF80]  }
0x201: {  	[tilespmem:$0x1FC80] =	vst v40;
	v40 =	vld [tilespmem:$0x1EFB0]  }
0x202: {  	[tilespmem:$0x1FC90] =	vst v45;
	v45 =	vld [tilespmem:$0x1EFF0];
	v19 =	vmul.f32 v20, v18  }
0x203: {  	v20 =	vmul.f32 v22, v21;
	v21 =	vmul.f32 v24, v23;
	v23 =	vld [tilespmem:$0x1FAA0]  }
0x204: {  	v24 =	vld [tilespmem:$0x1FAB0]  }
0x205: {  	v22 =	vmul.f32 v26, v25;
	v26 =	vld [tilespmem:$0x1FAC0]  }
0x206: {  	v2 =	vmul.f32 v37, v35;
	v35 =	vld [tilespmem:$0x1EF90]  }
0x207: {  	v37 =	vld [tilespmem:$0x3C0]  }
0x208: {  	v57 =	vadd.f32 v8, v7;
	v8 =	vld [tilespmem:$0xF70]  }
0x209: {  	v3 =	vadd.f32 v10, v3;
	v10 =	vld [tilespmem:$0x1EDF0]  }
0x20a: {  	v7 =	vmul.f32 v59, v58;
	v58 =	vld [tilespmem:$0x1EF00]  }
0x20b: {  	v59 =	vld [tilespmem:$0x1EF10]  }
0x20c: {  	v4 =	vadd.f32 v4, v5;
	v5 =	vmul.f32 v44, v43;
	v43 =	vld [tilespmem:$0x13C0]  }
0x20d: {  	v44 =	vld [tilespmem:$0x1EFE0]  }
0x20e: {  	[tilespmem:$0x1FC60] =	vst v11;
	v11 =	vld [tilespmem:$0x1F0B0]  }
0x20f: {  	v62 =	vadd.f32 v7, v55;
	v55 =	vld [tilespmem:$0x3A0]  }
0x210: {  	v63 =	vadd.f32 v57, v4;
	v57 =	vld [tilespmem:$0x1EEF0]  }
0x211: {  	v0 =	vadd.f32 v3, v0;
	v3 =	vmul.f32 v48, v47;
	v47 =	vld [tilespmem:$0x1F000]  }
0x212: {  	v48 =	vld [tilespmem:$0x1F010]  }
0x213: {  	[tilespmem:$0x1FCA0] =	vst v52;
	v52 =	vld [tilespmem:$0x3D0]  }
0x214: {  	[tilespmem:$0x1FCC0] =	vst v60;
	v60 =	vld [tilespmem:$0x1F060]  }
0x215: {  	[tilespmem:$0x1FD00] =	vst v33;
	v33 =	vld [tilespmem:$0x1F0F0]  }
0x216: {  	v25 =	vmul.f32 v23, v24;
	v24 =	vld [tilespmem:$0x1FAE0]  }
0x217: {  	v23 =	vmul.f32 v50, v49;
	v49 =	vld [tilespmem:$0x1FB10]  }
0x218: {  	v50 =	vld [tilespmem:$0x1FB20]  }
0x219: {  	v13 =	vadd.f32 v62, v63;
	v62 =	vld [tilespmem:$0x1EF30]  }
0x21a: {  	v63 =	vld [tilespmem:$0x1EF40]  }
0x21b: {  	[tilespmem:$0x1FFA0] =	vst v0;
	v0 =	vmul.f32 v15, v14;
	v14 =	vld [tilespmem:$0x3B0]  }
0x21c: {  	v15 =	vld [tilespmem:$0x1EF60]  }
0x21d: {  	[tilespmem:$0x1FCD0] =	vst v37;
	v37 =	vld [tilespmem:$0x1F110]  }
0x21e: {  	v6 =	vmul.f32 v59, v58;
	v58 =	vld [tilespmem:$0x1F050]  }
0x21f: {  	v59 =	vld [tilespmem:$0x3E0]  }
0x220: {  	v4 =	vmul.f32 v10, v9;
	v9 =	vld [tilespmem:$0x13E0]  }
0x221: {  	v10 =	vld [tilespmem:$0x1F0A0]  }
0x222: {  	[tilespmem:$0x1FCE0] =	vst v43;
	v43 =	vld [tilespmem:$0x1F150]  }
0x223: {  	[tilespmem:$0x1FFD0] =	vst v13;
	v13 =	vld [tilespmem:$0x1EF50]  }
0x224: {  	v39 =	vadd.f32 $0.0e+00, v4;
	v4 =	vmul.f32 v42, v41;
	v41 =	vld [tilespmem:$0x1EFC0]  }
0x225: {  	v1 =	vadd.f32 $0.0e+00, v1;
	v42 =	vld [tilespmem:$0x1EFD0]  }
0x226: {  	[tilespmem:$0x1FCB0] =	vst v55;
	v55 =	vld [tilespmem:$0x1F030]  }
0x227: {  	v1 =	vadd.f32 v3, v1;
	v0 =	vadd.f32 $0.0e+00, v0;
	v3 =	vmul.f32 v57, v56;
	v56 =	vld [tilespmem:$0x13D0]  }
0x228: {  	v57 =	vld [tilespmem:$0x1F040]  }
0x229: {  	v0 =	vadd.f32 v5, v0;
	v5 =	vmul.f32 v54, v53;
	v54 =	vld [tilespmem:$0x1F020]  }
0x22a: {  	[tilespmem:$0x1FD10] =	vst v52;
	v52 =	vld [tilespmem:$0x1F190]  }
0x22b: {  	v2 =	vadd.f32 v2, v39;
	v39 =	vld [tilespmem:$0x1EFA0]  }
0x22c: {  	v4 =	vadd.f32 $0.0e+00, v4;
	[tilespmem:$0x1FCF0] =	vst v14;
	v14 =	vld [tilespmem:$0x1F0D0]  }
0x22d: {  	[tilespmem:$0x1FD30] =	vst v59;
	v59 =	vld [tilespmem:$0x7A0]  }
0x22e: {  	v4 =	vadd.f32 v5, v4;
	v5 =	vmul.f32 v62, v61;
	v61 =	vld [tilespmem:$0x1F070]  }
0x22f: {  	v62 =	vld [tilespmem:$0x1F080]  }
0x230: {  	v7 =	vmul.f32 v13, v63;
	v63 =	vld [tilespmem:$0x1F090]  }
0x231: {  	v13 =	vld [tilespmem:$0x1F0C0]  }
0x232: {  	v2 =	vadd.f32 v3, v2;
	v3 =	vmul.f32 v32, v15;
	v15 =	vld [tilespmem:$0x3F0]  }
0x233: {  	v32 =	vld [tilespmem:$0x1F0E0]  }
0x234: {  	v0 =	vadd.f32 v6, v0;
	v6 =	vmul.f32 v42, v41;
	v41 =	vld [tilespmem:$0x1F130]  }
0x235: {  	v42 =	vld [tilespmem:$0x1F140]  }
0x236: {  	[tilespmem:$0x1FD20] =	vst v56;
	v56 =	vld [tilespmem:$0x1790]  }
0x237: {  	v1 =	vadd.f32 v5, v1;
	v5 =	vmul.f32 v35, v34;
	v34 =	vld [tilespmem:$0x13F0]  }
0x238: {  	v35 =	vld [tilespmem:$0x1F100]  }
0x239: {  	v4 =	vadd.f32 v7, v4;
	v7 =	vmul.f32 v48, v47;
	v47 =	vld [tilespmem:$0x1F170]  }
0x23a: {  	v48 =	vld [tilespmem:$0x1F180]  }
0x23b: {  	v2 =	vadd.f32 v3, v2;
	v3 =	vmul.f32 v40, v39;
	v39 =	vld [tilespmem:$0x780]  }
0x23c: {  	v40 =	vld [tilespmem:$0x1F120]  }
0x23d: {  	v0 =	vadd.f32 v5, v0;
	v5 =	vmul.f32 v45, v44;
	v44 =	vld [tilespmem:$0x1780]  }
0x23e: {  	v45 =	vld [tilespmem:$0x1F160]  }
0x23f: {  	v53 =	vadd.f32 v6, v4;
	v4 =	vmul.f32 v55, v54;
	v54 =	vld [tilespmem:$0x1F1A0]  }
0x240: {  	v55 =	vld [tilespmem:$0x1F1B0]  }
0x241: {  	[tilespmem:$0x1FDB0] =	vst v59;
	v59 =	vld [tilespmem:$0x17D0]  }
0x242: {  	v6 =	vmul.f32 v63, v62;
	v62 =	vld [tilespmem:$0x1F200]  }
0x243: {  	v63 =	vld [tilespmem:$0x1F210]  }
0x244: {  	[tilespmem:$0x1FD50] =	vst v15;
	v15 =	vld [tilespmem:$0x1F230]  }
0x245: {  	v2 =	vadd.f32 v5, v2;
	v5 =	vmul.f32 v58, v57;
	v57 =	vld [tilespmem:$0x1F1C0]  }
0x246: {  	v58 =	vld [tilespmem:$0x1F1D0]  }
0x247: {  	v0 =	vadd.f32 v7, v0;
	v7 =	vmul.f32 v14, v13;
	v13 =	vld [tilespmem:$0x17A0]  }
0x248: {  	v1 =	vadd.f32 v3, v1;
	v14 =	vld [tilespmem:$0x1F220]  }
0x249: {  	[tilespmem:$0x1FDA0] =	vst v56;
	v56 =	vld [tilespmem:$0x7D0]  }
0x24a: {  	v1 =	vadd.f32 v4, v1;
	v4 =	vmul.f32 v61, v60;
	v60 =	vld [tilespmem:$0x1F1E0]  }
0x24b: {  	v61 =	vld [tilespmem:$0x1F1F0]  }
0x24c: {  	[tilespmem:$0x1FD60] =	vst v34;
	v34 =	vld [tilespmem:$0x7B0]  }
0x24d: {  	v3 =	vadd.f32 v5, v53;
	v53 =	vld [tilespmem:$0x790]  }
0x24e: {  	[tilespmem:$0x1FD70] =	vst v39;
	v39 =	vld [tilespmem:$0x17B0]  }
0x24f: {  	v0 =	vadd.f32 v6, v0;
	v6 =	vmul.f32 v43, v42;
	v42 =	vld [tilespmem:$0x7C0]  }
0x250: {  	v43 =	vld [tilespmem:$0x1F2A0]  }
0x251: {  	v2 =	vadd.f32 v4, v2;
	v4 =	vmul.f32 v33, v32;
	v32 =	vld [tilespmem:$0x1F240]  }
0x252: {  	v33 =	vld [tilespmem:$0x1F250]  }
0x253: {  	v5 =	vmul.f32 v11, v10;
	[tilespmem:$0x1FD80] =	vst v44;
	v44 =	vld [tilespmem:$0x1F2B0]  }
0x254: {  	[tilespmem:$0x1FE20] =	vst v59;
	v59 =	vld [tilespmem:$0xB90]  }
0x255: {  	v1 =	vadd.f32 v5, v1;
	v5 =	vmul.f32 v37, v35;
	v35 =	vld [tilespmem:$0x1F260]  }
0x256: {  	v37 =	vld [tilespmem:$0x1F270]  }
0x257: {  	v3 =	vadd.f32 v7, v3;
	v7 =	vmul.f32 v52, v48;
	v48 =	vld [tilespmem:$0x17C0]  }
0x258: {  	v52 =	vld [tilespmem:$0x1F2E0]  }
0x259: {  	v2 =	vadd.f32 v4, v2;
	v4 =	vmul.f32 v41, v40;
	v40 =	vld [tilespmem:$0x1F280]  }
0x25a: {  	v41 =	vld [tilespmem:$0x1F290]  }
0x25b: {  	[tilespmem:$0x1FDC0] =	vst v13;
	v13 =	vld [tilespmem:$0x1F370]  }
0x25c: {  	[tilespmem:$0x1FC50] =	vst v8;
	v8 =	vmul.f32 v15, v14;
	v14 =	vld [tilespmem:$0x1F380]  }
0x25d: {  	v15 =	vld [tilespmem:$0x1F390]  }
0x25e: {  	[tilespmem:$0x1FE10] =	vst v56;
	v56 =	vld [tilespmem:$0x1F470]  }
0x25f: {  	v0 =	vadd.f32 v5, v0;
	v5 =	vmul.f32 v47, v45;
	v45 =	vld [tilespmem:$0x1F2C0]  }
0x260: {  	v47 =	vld [tilespmem:$0x1F2D0]  }
0x261: {  	v3 =	vadd.f32 v6, v3;
	v6 =	vmul.f32 v61, v60;
	v60 =	vld [tilespmem:$0x1F340]  }
0x262: {  	v61 =	vld [tilespmem:$0x1F350]  }
0x263: {  	[tilespmem:$0x1FDD0] =	vst v34;
	v34 =	vld [tilespmem:$0x1F3B0]  }
0x264: {  	[tilespmem:$0x1FD90] =	vst v53;
	v53 =	vld [tilespmem:$0x1F2F0]  }
0x265: {  	v1 =	vadd.f32 v4, v1;
	v4 =	vmul.f32 v55, v54;
	v54 =	vld [tilespmem:$0x1F300]  }
0x266: {  	v55 =	vld [tilespmem:$0x1F310]  }
0x267: {  	[tilespmem:$0x1FDE0] =	vst v39;
	v39 =	vld [tilespmem:$0x7F0]  }
0x268: {  	[tilespmem:$0x1FDF0] =	vst v42;
	v42 =	vld [tilespmem:$0x17F0]  }
0x269: {  	v2 =	vadd.f32 v5, v2;
	v5 =	vmul.f32 v58, v57;
	v57 =	vld [tilespmem:$0x1F320]  }
0x26a: {  	v58 =	vld [tilespmem:$0x1F330]  }
0x26b: {  	v0 =	vadd.f32 v7, v0;
	v7 =	vmul.f32 v63, v62;
	v62 =	vld [tilespmem:$0x7E0]  }
0x26c: {  	v63 =	vld [tilespmem:$0x1F360]  }
0x26d: {  	[tilespmem:$0x1FD40] =	vst v9;
	v9 =	vmul.f32 v33, v32;
	v32 =	vld [tilespmem:$0x17E0]  }
0x26e: {  	v33 =	vld [tilespmem:$0x1F3A0]  }
0x26f: {  	[tilespmem:$0x1FE90] =	vst v59;
	v59 =	vld [tilespmem:$0x1F5D0]  }
0x270: {  	v1 =	vadd.f32 v6, v1;
	v6 =	vmul.f32 v37, v35;
	v35 =	vld [tilespmem:$0x1F3C0]  }
0x271: {  	v4 =	vadd.f32 $0.0e+00, v4;
	v37 =	vld [tilespmem:$0x1F3D0]  }
0x272: {  	[tilespmem:$0x1FE00] =	vst v48;
	v48 =	vld [tilespmem:$0x1F430]  }
0x273: {  	v4 =	vadd.f32 v7, v4;
	v7 =	vmul.f32 v41, v40;
	v40 =	vld [tilespmem:$0x1F3E0]  }
0x274: {  	v41 =	vld [tilespmem:$0x1F3F0]  }
0x275: {  	v5 =	vadd.f32 $0.0e+00, v5;
	v10 =	vmul.f32 v47, v45;
	v45 =	vld [tilespmem:$0xB80]  }
0x276: {  	v47 =	vld [tilespmem:$0x1F420]  }
0x277: {  	v5 =	vadd.f32 v9, v5;
	v9 =	vmul.f32 v44, v43;
	v43 =	vld [tilespmem:$0x1F400]  }
0x278: {  	v44 =	vld [tilespmem:$0x1F410]  }
0x279: {  	v11 =	vmul.f32 v55, v54;
	v54 =	vld [tilespmem:$0x1B80]  }
0x27a: {  	v55 =	vld [tilespmem:$0x1F460]  }
0x27b: {  	v8 =	vadd.f32 $0.0e+00, v8;
	[tilespmem:$0x1FE50] =	vst v39;
	v39 =	vld [tilespmem:$0x1F530]  }
0x27c: {  	[tilespmem:$0x1FE60] =	vst v42;
	v42 =	vld [tilespmem:$0xBB0]  }
0x27d: {  	v7 =	vadd.f32 v7, v8;
	v8 =	vmul.f32 v53, v52;
	v52 =	vld [tilespmem:$0x1F440]  }
0x27e: {  	v53 =	vld [tilespmem:$0x1F450]  }
0x27f: {  	[tilespmem:$0x1FE30] =	vst v62;
	v62 =	vld [tilespmem:$0x1B90]  }
0x280: {  	v4 =	vadd.f32 v10, v4;
	v10 =	vmul.f32 v15, v14;
	v14 =	vld [tilespmem:$0xBA0]  }
0x281: {  	v6 =	vadd.f32 $0.0e+00, v6;
	v15 =	vld [tilespmem:$0x1F4E0]  }
0x282: {  	[tilespmem:$0x1FE40] =	vst v32;
	v32 =	vld [tilespmem:$0x1F4F0]  }
0x283: {  	v6 =	vadd.f32 v9, v6;
	v9 =	vmul.f32 v58, v57;
	v57 =	vld [tilespmem:$0x1F480]  }
0x284: {  	v58 =	vld [tilespmem:$0x1F490]  }
0x285: {  	v5 =	vadd.f32 v8, v5;
	v8 =	vmul.f32 v61, v60;
	v60 =	vld [tilespmem:$0x1F4A0]  }
0x286: {  	v61 =	vld [tilespmem:$0x1F4B0]  }
0x287: {  	v7 =	vadd.f32 v11, v7;
	v11 =	vmul.f32 v37, v35;
	v35 =	vld [tilespmem:$0x1BA0]  }
0x288: {  	v37 =	vld [tilespmem:$0x1F520]  }
0x289: {  	v6 =	vadd.f32 v9, v6;
	v9 =	vmul.f32 v13, v63;
	v63 =	vld [tilespmem:$0x1F4C0]  }
0x28a: {  	v13 =	vld [tilespmem:$0x1F4D0]  }
0x28b: {  	[tilespmem:$0x1FE70] =	vst v45;
	v45 =	vld [tilespmem:$0x1BB0]  }
0x28c: {  	v4 =	vadd.f32 v8, v4;
	v8 =	vmul.f32 v34, v33;
	v33 =	vld [tilespmem:$0x1F500]  }
0x28d: {  	v34 =	vld [tilespmem:$0x1F510]  }
0x28e: {  	[tilespmem:$0x1FE80] =	vst v54;
	v54 =	vld [tilespmem:$0x1F5B0]  }
0x28f: {  	[tilespmem:$0x1FED0] =	vst v42;
	v42 =	vld [tilespmem:$0x1BF0]  }
0x290: {  	v5 =	vadd.f32 v9, v5;
	v9 =	vmul.f32 v41, v40;
	v40 =	vld [tilespmem:$0x1F540]  }
0x291: {  	v41 =	vld [tilespmem:$0x1F550]  }
0x292: {  	v7 =	vadd.f32 v10, v7;
	v10 =	vmul.f32 v53, v52;
	v52 =	vld [tilespmem:$0xBC0]  }
0x293: {  	v53 =	vld [tilespmem:$0x1F5A0]  }
0x294: {  	[tilespmem:$0x1FEA0] =	vst v62;
	v62 =	vld [tilespmem:$0x1F5F0]  }
0x295: {  	[tilespmem:$0x1FEB0] =	vst v14;
	v14 =	vld [tilespmem:$0x1F670]  }
0x296: {  	v6 =	vadd.f32 v8, v6;
	v8 =	vmul.f32 v44, v43;
	v43 =	vld [tilespmem:$0x1F560]  }
0x297: {  	v44 =	vld [tilespmem:$0x1F570]  }
0x298: {  	v4 =	vadd.f32 v11, v4;
	v11 =	vmul.f32 v58, v57;
	v58 =	vld [tilespmem:$0x1F5C0]  }
0x299: {  	v5 =	vadd.f32 v9, v5;
	v9 =	vmul.f32 v48, v47;
	v47 =	vld [tilespmem:$0x1F580]  }
0x29a: {  	v48 =	vld [tilespmem:$0x1F590]  }
0x29b: {  	v7 =	vadd.f32 v8, v7;
	v8 =	vmul.f32 v56, v55;
	v56 =	vld [tilespmem:$0x1BC0]  }
0x29c: {  	v4 =	vadd.f32 v10, v4;
	v10 =	vmul.f32 v32, v15;
	v15 =	vld [tilespmem:$0x1F680]  }
0x29d: {  	[tilespmem:$0x1FEE0] =	vst v45;
	v45 =	vld [tilespmem:$0xF80]  }
0x29e: {  	v6 =	vadd.f32 v9, v6;
	v9 =	vmul.f32 v61, v60;
	v60 =	vld [tilespmem:$0xBD0]  }
0x29f: {  	v61 =	vld [tilespmem:$0x1F5E0]  }
0x2a0: {  	[tilespmem:$0x1FF60] =	vst v42;
	v42 =	vld [tilespmem:$0x1F820]  }
0x2a1: {  	v5 =	vadd.f32 v8, v5;
	v8 =	vmul.f32 v13, v63;
	v63 =	vld [tilespmem:$0x1BD0]  }
0x2a2: {  	v13 =	vld [tilespmem:$0x1F660]  }
0x2a3: {  	v7 =	vadd.f32 v11, v7;
	v11 =	vmul.f32 v41, v40;
	v40 =	vld [tilespmem:$0x1F6A0]  }
0x2a4: {  	v41 =	vld [tilespmem:$0x1F6B0]  }
0x2a5: {  	[tilespmem:$0x1FEF0] =	vst v52;
	v52 =	vld [tilespmem:$0x1F700]  }
0x2a6: {  	v6 =	vadd.f32 v10, v6;
	v10 =	vmul.f32 v54, v53;
	v53 =	vld [tilespmem:$0x1F710]  }
0x2a7: {  	v54 =	vld [tilespmem:$0x1F80]  }
0x2a8: {  	v5 =	vadd.f32 v8, v5;
	v8 =	vmul.f32 v39, v37;
	v37 =	vld [tilespmem:$0x1F690]  }
0x2a9: {  	v4 =	vadd.f32 v9, v4;
	v9 =	vmul.f32 v34, v33;
	v39 =	vld [tilespmem:$0xBF0]  }
0x2aa: {  	[tilespmem:$0x1FEC0] =	vst v35;
	v35 =	vadd.f32 v10, v3;
	v10 =	vld [tilespmem:$0x1F650]  }
0x2ab: {  	v7 =	vadd.f32 v9, v7;
	v9 =	vmul.f32 v44, v43;
	v43 =	vld [tilespmem:$0x1F6C0]  }
0x2ac: {  	v44 =	vld [tilespmem:$0x1F6D0]  }
0x2ad: {  	[tilespmem:$0x1FF00] =	vst v56;
	v56 =	vld [tilespmem:$0x1F730]  }
0x2ae: {  	[tilespmem:$0x1FF70] =	vst v45;
	v45 =	vld [tilespmem:$0x1F850]  }
0x2af: {  	v5 =	vadd.f32 v11, v5;
	v11 =	vld [tilespmem:$0x1BE0]  }
0x2b0: {  	v4 =	vadd.f32 v8, v4;
	v8 =	vmul.f32 v48, v47;
	v47 =	vld [tilespmem:$0x1F6E0]  }
0x2b1: {  	v0 =	vadd.f32 v0, v2;
	v48 =	vld [tilespmem:$0x1F6F0]  }
0x2b2: {  	[tilespmem:$0x1FF10] =	vst v60;
	v60 =	vld [tilespmem:$0x1F760]  }
0x2b3: {  	v34 =	vadd.f32 v1, v0;
	v0 =	vmul.f32 v62, v61;
	v61 =	vld [tilespmem:$0x1F770]  }
0x2b4: {  	v62 =	vld [tilespmem:$0x1F780]  }
0x2b5: {  	v55 =	vadd.f32 v9, v6;
	v6 =	vld [tilespmem:$0xBE0]  }
0x2b6: {  	v9 =	vld [tilespmem:$0x1F640]  }
0x2b7: {  	[tilespmem:$0x1FF20] =	vst v63;
	v63 =	vld [tilespmem:$0x1F90]  }
0x2b8: {  	v4 =	vadd.f32 v5, v4;
	v5 =	vld [tilespmem:$0x1F610]  }
0x2b9: {  	v57 =	vadd.f32 v8, v7;
	v8 =	vld [tilespmem:$0x1F630]  }
0x2ba: {  	v7 =	vmul.f32 v59, v58;
	v58 =	vld [tilespmem:$0x1F750]  }
0x2bb: {  	v59 =	vld [tilespmem:$0xF90]  }
0x2bc: {  	[tilespmem:$0x1FF80] =	vst v54;
	v54 =	vld [tilespmem:$0x1F8A0]  }
0x2bd: {  	[tilespmem:$0x1FF50] =	vst v39;
	v39 =	vld [tilespmem:$0x1F800]  }
0x2be: {  	v32 =	vadd.f32 v57, v4;
	v4 =	vld [tilespmem:$0x1F600]  }
0x2bf: {  	v33 =	vadd.f32 v7, v55;
	v7 =	vld [tilespmem:$0x1F620]  }
0x2c0: {  	v55 =	vld [tilespmem:$0x1F720]  }
0x2c1: {  	v57 =	vld [tilespmem:$0x1F740]  }
0x2c2: {  	[tilespmem:$0x1FF40] =	vst v11;
	v11 =	vld [tilespmem:$0x1F7B0]  }
0x2c3: {  	v3 =	vmul.f32 v10, v9;
	v9 =	vld [tilespmem:$0x1F790]  }
0x2c4: {  	v10 =	vld [tilespmem:$0x1F7A0]  }
0x2c5: {  	[tilespmem:$0x1FF30] =	vst v6;
	v6 =	vmul.f32 v53, v52;
	v52 =	vld [tilespmem:$0x1F880]  }
0x2c6: {  	v0 =	vadd.f32 $0.0e+00, v0;
	v53 =	vld [tilespmem:$0x1F890]  }
0x2c7: {  	[tilespmem:$0x1FF90] =	vst v59;
	v59 =	vld [tilespmem:$0x1FB0]  }
0x2c8: {  	v0 =	vadd.f32 v3, v0;
	v3 =	vmul.f32 v41, v40;
	v40 =	vld [tilespmem:$0x1F810]  }
0x2c9: {  	v1 =	vmul.f32 v5, v4;
	v4 =	vmul.f32 v14, v13;
	v13 =	vld [tilespmem:$0x1F7C0]  }
0x2ca: {  	v14 =	vld [tilespmem:$0x1F7D0]  }
0x2cb: {  	v5 =	vmul.f32 v37, v15;
	v15 =	vld [tilespmem:$0x1F7E0]  }
0x2cc: {  	v37 =	vld [tilespmem:$0x1F7F0]  }
0x2cd: {  	v2 =	vmul.f32 v8, v7;
	v7 =	vmul.f32 v58, v57;
	v58 =	vld [tilespmem:$0xFC0];
	v1 =	vadd.f32 $0.0e+00, v1  }
0x2ce: {  	v57 =	vld [tilespmem:$0x1FC0]  }
0x2cf: {  	v2 =	vadd.f32 $0.0e+00, v2;
	v1 =	vadd.f32 v5, v1;
	v5 =	vmul.f32 v44, v43;
	v43 =	vld [tilespmem:$0x1F830]  }
0x2d0: {  	v44 =	vld [tilespmem:$0x1F840]  }
0x2d1: {  	v2 =	vadd.f32 v3, v2;
	v3 =	vmul.f32 v48, v47;
	v47 =	vld [tilespmem:$0x1F860]  }
0x2d2: {  	v48 =	vld [tilespmem:$0x1F870]  }
0x2d3: {  	v4 =	vadd.f32 $0.0e+00, v4;
	v0 =	vadd.f32 v3, v0;
	v3 =	vmul.f32 v61, v60;
	v61 =	vld [tilespmem:$0x1FA0]  }
0x2d4: {  	v60 =	vld [tilespmem:$0xFB0]  }
0x2d5: {  	v4 =	vadd.f32 v5, v4;
	v5 =	vmul.f32 v56, v55;
	v55 =	vld [tilespmem:$0x1F8B0]  }
0x2d6: {  	v56 =	vld [tilespmem:$0x1F8C0]  }
0x2d7: {  	v1 =	vadd.f32 v6, v1;
	v6 =	vmul.f32 v14, v13;
	v13 =	vld [tilespmem:$0x1F8D0]  }
0x2d8: {  	v14 =	vld [tilespmem:$0x1F8E0]  }
0x2d9: {  	v2 =	vadd.f32 v5, v2;
	v5 =	vmul.f32 v9, v62;
	v62 =	vld [tilespmem:$0xFA0]  }
0x2da: {  	v4 =	vadd.f32 v7, v4;
	v7 =	vmul.f32 v40, v39;
	v39 =	vld [tilespmem:$0x1F910]  }
0x2db: {  	v40 =	vld [tilespmem:$0x1F920]  }
0x2dc: {  	v0 =	vadd.f32 v3, v0;
	v3 =	vmul.f32 v11, v10;
	v11 =	vld [tilespmem:$0x1F9A0]  }
0x2dd: {  	v10 =	vld [tilespmem:$0x1FA70]  }
0x2de: {  	v9 =	vld [tilespmem:$0x1FB30]  }
0x2df: {  	v1 =	vadd.f32 v5, v1;
	v5 =	vmul.f32 v37, v15;
	v15 =	vld [tilespmem:$0x1F8F0]  }
0x2e0: {  	v41 =	vadd.f32 v6, v4;
	v6 =	vmul.f32 v53, v52;
	v53 =	vld [tilespmem:$0x1FD0]  }
0x2e1: {  	v37 =	vld [tilespmem:$0x1F900]  }
0x2e2: {  	v4 =	vmul.f32 v43, v42;
	v42 =	vld [tilespmem:$0x1F940]  }
0x2e3: {  	v43 =	vld [tilespmem:$0x1F950]  }
0x2e4: {  	v52 =	vld [tilespmem:$0xFF0]  }
0x2e5: {  	v59 =	vmul.f32 v59, v60;
	v60 =	vld [tilespmem:$0x1C50]  }
0x2e6: {  	v1 =	vadd.f32 v7, v1;
	v7 =	vmul.f32 v13, v56;
	v56 =	vld [tilespmem:$0xFE0]  }
0x2e7: {  	v2 =	vadd.f32 v3, v2;
	v0 =	vadd.f32 v5, v0;
	v5 =	vmul.f32 v44, v45;
	v44 =	vld [tilespmem:$0x1F960]  }
0x2e8: {  	v45 =	vld [tilespmem:$0x1F970]  }
0x2e9: {  	v2 =	vadd.f32 v4, v2;
	v4 =	vmul.f32 v48, v47;
	v47 =	vld [tilespmem:$0x1F980]  }
0x2ea: {  	v48 =	vld [tilespmem:$0x1F990]  }
0x2eb: {  	v13 =	vld [tilespmem:$0x1F9B0]  }
0x2ec: {  	v3 =	vadd.f32 v5, v41;
	v5 =	vmul.f32 v55, v54;
	v55 =	vld [tilespmem:$0xFD0]  }
0x2ed: {  	v41 =	vld [tilespmem:$0x1F930]  }
0x2ee: {  	v54 =	vld [tilespmem:$0x1FE0]  }
0x2ef: {  	v0 =	vadd.f32 v4, v0;
	v4 =	vmul.f32 v15, v14;
	v14 =	vld [tilespmem:$0x1FF0]  }
0x2f0: {  	[tilespmem:$0x1FFB0] =	vst v52;
	v52 =	vld [tilespmem:$0x400]  }
0x2f1: {  	v1 =	vadd.f32 v6, v1;
	v6 =	vmul.f32 v43, v42;
	v42 =	vld [tilespmem:$0x1FA00]  }
0x2f2: {  	v2 =	vadd.f32 v5, v2;
	v5 =	vmul.f32 v37, v39;
	v37 =	vld [tilespmem:$0x1F9C0]  }
0x2f3: {  	v39 =	vld [tilespmem:$0x1F9D0]  }
0x2f4: {  	v3 =	vadd.f32 v7, v3;
	v7 =	vmul.f32 v48, v47;
	v47 =	vld [tilespmem:$0x1400]  }
0x2f5: {  	v48 =	vld [tilespmem:$0x410]  }
0x2f6: {  	v15 =	vadd.f32 v6, v3;
	v6 =	vld [tilespmem:$0x1FA60]  }
0x2f7: {  	v1 =	vadd.f32 v5, v1;
	v5 =	vmul.f32 v45, v44;
	v44 =	vld [tilespmem:$0x1410]  }
0x2f8: {  	v45 =	vld [tilespmem:$0x420]  }
0x2f9: {  	v3 =	vmul.f32 v49, v50;
	v49 =	vld [tilespmem:$0x1FBF0]  }
0x2fa: {  	v50 =	vld [tilespmem:$0x1FC00]  }
0x2fb: {  	v0 =	vadd.f32 v4, v0;
	v4 =	vmul.f32 v41, v40;
	v40 =	vld [tilespmem:$0x1F9E0]  }
0x2fc: {  	v41 =	vld [tilespmem:$0x1F9F0]  }
0x2fd: {  	v53 =	vmul.f32 v53, v55;
	v55 =	vld [tilespmem:$0xC60]  }
0x2fe: {  	v43 =	vmul.f32 v12, v42;
	v12 =	vld [tilespmem:$0x1FA10]  }
0x2ff: {  	v42 =	vld [tilespmem:$0x1420];
	v2 =	vadd.f32 v4, v2  }
0x300: {  	v4 =	vmul.f32 v13, v11;
	v13 =	vadd.f32 v7, v1;
	v1 =	vmul.f32 v39, v37;
	v37 =	vld [tilespmem:$0x1FA20]  }
0x301: {  	v39 =	vld [tilespmem:$0x1FA30]  }
0x302: {  	v11 =	vld [tilespmem:$0x1FA80]  }
0x303: {  	v7 =	vld [tilespmem:$0x1FCA0];
	v4 =	vadd.f32 $0.0e+00, v4  }
0x304: {  	[tilespmem:$0x1FFC0] =	vst v14;
	v14 =	vadd.f32 v5, v0;
	v5 =	vmul.f32 v40, v41;
	v40 =	vld [tilespmem:$0x1FA40]  }
0x305: {  	v4 =	vadd.f32 v43, v4;
	v43 =	vld [tilespmem:$0x430]  }
0x306: {  	v42 =	vmul.f32 v42, v45;
	v45 =	vld [tilespmem:$0x1070]  }
0x307: {  	v8 =	vmul.f32 v37, v12;
	v12 =	vadd.f32 v5, v2;
	v5 =	vld [tilespmem:$0x1FA50]  }
0x308: {  	v37 =	vmul.f32 v10, v11;
	v10 =	vld [tilespmem:$0x1FB40]  }
0x309: {  	v13 =	vadd.f32 v13, v14;
	v11 =	vld [tilespmem:$0x1FB50]  }
0x30a: {  	v4 =	vadd.f32 v17, v4;
	v17 =	vld [tilespmem:$0x1FAD0]  }
0x30b: {  	v12 =	vadd.f32 v12, v13;
	v13 =	vld [tilespmem:$0x1FCE0]  }
0x30c: {  	v41 =	vmul.f32 v40, v39;
	v40 =	vld [tilespmem:$0x440]  }
0x30d: {  	v1 =	vadd.f32 $0.0e+00, v1;
	v4 =	vadd.f32 v22, v4;
	v22 =	vmul.f32 v46, v38;
	v38 =	vld [tilespmem:$0x460]  }
0x30e: {  	v39 =	vadd.f32 $0.0e+00, v8;
	v46 =	vld [tilespmem:$0x1FB00]  }
0x30f: {  	v1 =	vadd.f32 v41, v1;
	v41 =	vld [tilespmem:$0x1430]  }
0x310: {  	v2 =	vmul.f32 v6, v5;
	v5 =	vadd.f32 v37, v39;
	v37 =	vld [tilespmem:$0x1440]  }
0x311: {  	v39 =	vld [tilespmem:$0x450]  }
0x312: {  	v6 =	vmul.f32 v9, v10;
	v9 =	vld [tilespmem:$0x1FC10]  }
0x313: {  	v18 =	vmul.f32 v17, v30;
	v30 =	vld [tilespmem:$0x470]  }
0x314: {  	v1 =	vadd.f32 v19, v1;
	v19 =	vmul.f32 v36, v31;
	v36 =	vld [tilespmem:$0x1450]  }
0x315: {  	v2 =	vadd.f32 $0.0e+00, v2;
	v31 =	vld [tilespmem:$0x1460]  }
0x316: {  	v27 =	vmul.f32 v26, v27;
	v1 =	vadd.f32 v25, v1;
	v25 =	vld [tilespmem:$0x1FAF0]  }
0x317: {  	v5 =	vadd.f32 v20, v5;
	v2 =	vadd.f32 v16, v2;
	v16 =	vmul.f32 v29, v28;
	v29 =	vld [tilespmem:$0x1470]  }
0x318: {  	v28 =	vld [tilespmem:$0x800]  }
0x319: {  	v5 =	vadd.f32 v27, v5;
	v27 =	vld [tilespmem:$0x1800]  }
0x31a: {  	v37 =	vmul.f32 v37, v40;
	v40 =	vld [tilespmem:$0x1C70]  }
0x31b: {  	v2 =	vadd.f32 v21, v2;
	v21 =	vadd.f32 v18, v4;
	v18 =	vld [tilespmem:$0x1FB70]  }
0x31c: {  	v41 =	vmul.f32 v41, v43;
	v8 =	vadd.f32 v19, v1;
	v19 =	vld [tilespmem:$0x1FB80]  }
0x31d: {  	v26 =	vadd.f32 v22, v5;
	v22 =	vld [tilespmem:$0x1FBA0]  }
0x31e: {  	v58 =	vmul.f32 v57, v58;
	v57 =	vadd.f32 $0.0e+00, v41;
	v41 =	vld [tilespmem:$0x2060]  }
0x31f: {  	v20 =	vadd.f32 v16, v2;
	v16 =	vld [tilespmem:$0x1FB60]  }
0x320: {  	v4 =	vadd.f32 v3, v26;
	v26 =	vld [tilespmem:$0x1FBE0]  }
0x321: {  	v1 =	vmul.f32 v25, v24;
	v24 =	vld [tilespmem:$0x1FBC0]  }
0x322: {  	v25 =	vld [tilespmem:$0x1FBD0]  }
0x323: {  	v29 =	vmul.f32 v29, v30;
	v30 =	vld [tilespmem:$0x1040]  }
0x324: {  	v2 =	vmul.f32 v51, v46;
	v51 =	vadd.f32 v23, v20;
	v23 =	vld [tilespmem:$0x1FBB0]  }
0x325: {  	v1 =	vadd.f32 v1, v21;
	v21 =	vld [tilespmem:$0x1FB90]  }
0x326: {  	v20 =	vmul.f32 v19, v18;
	v18 =	vld [tilespmem:$0x1FC60]  }
0x327: {  	v17 =	vmul.f32 v16, v11;
	v11 =	vld [tilespmem:$0x1FC30]  }
0x328: {  	v16 =	vld [tilespmem:$0x1FC40]  }
0x329: {  	v3 =	vadd.f32 v20, v51;
	v20 =	vld [tilespmem:$0x1830]  }
0x32a: {  	v8 =	vadd.f32 v2, v8;
	v2 =	vmul.f32 v26, v25;
	v26 =	vld [tilespmem:$0x810]  }
0x32b: {  	v25 =	vld [tilespmem:$0x1810]  }
0x32c: {  	v0 =	vmul.f32 v24, v23;
	v24 =	vld [tilespmem:$0x820]  }
0x32d: {  	v10 =	vadd.f32 v17, v8;
	v17 =	vld [tilespmem:$0x1FC50]  }
0x32e: {  	v6 =	vadd.f32 v6, v1;
	v23 =	vld [tilespmem:$0x830]  }
0x32f: {  	v1 =	vmul.f32 v22, v21;
	v2 =	vadd.f32 v2, v10;
	v10 =	vld [tilespmem:$0x1FC20]  }
0x330: {  	v21 =	vld [tilespmem:$0x840];
	v51 =	vadd.f32 v0, v6  }
0x331: {  	v46 =	vadd.f32 v1, v4;
	v4 =	vmul.f32 v49, v50;
	v49 =	vadd.f32 v33, v32;
	v33 =	vld [tilespmem:$0x1840]  }
0x332: {  	v0 =	vmul.f32 v16, v11;
	v16 =	vld [tilespmem:$0x1FCF0]  }
0x333: {  	v1 =	vadd.f32 v2, v51;
	v51 =	vld [tilespmem:$0x1FC70]  }
0x334: {  	v3 =	vadd.f32 v4, v3;
	v4 =	vld [tilespmem:$0x1FC80];
	v6 =	vmul.f32 v10, v9  }
0x335: {  	v0 =	vadd.f32 v0, v15;
	v9 =	vld [tilespmem:$0x1FCB0]  }
0x336: {  	v10 =	vld [tilespmem:$0x1FCC0];
	v5 =	vadd.f32 v6, v46;
	v6 =	vmul.f32 v18, v17  }
0x337: {  	v50 =	vadd.f32 v0, v12;
	v12 =	vld [tilespmem:$0x1FCD0]  }
0x338: {  	v19 =	vadd.f32 v6, v3;
	v6 =	vld [tilespmem:$0x1FC90]  }
0x339: {  	v17 =	vld [tilespmem:$0x1FD00]  }
0x33a: {  	v18 =	vld [tilespmem:$0x1FD10]  }
0x33b: {  	v46 =	vadd.f32 v35, v34;
	v34 =	vld [tilespmem:$0x1FD70]  }
0x33c: {  	v32 =	vmul.f32 v4, v51;
	v4 =	vld [tilespmem:$0x1FD20]  }
0x33d: {  	v8 =	vmul.f32 v7, v6;
	v6 =	vld [tilespmem:$0x1FD30]  }
0x33e: {  	v7 =	vld [tilespmem:$0x1FD40]  }
0x33f: {  	v11 =	vmul.f32 v10, v9;
	v9 =	vld [tilespmem:$0x1FD50]  }
0x340: {  	v10 =	vld [tilespmem:$0x1FD60]  }
0x341: {  	v5 =	vadd.f32 v5, v1;
	v0 =	vmul.f32 v4, v18;
	v4 =	vld [tilespmem:$0x1FD80]  }
0x342: {  	v15 =	vmul.f32 v13, v12;
	v32 =	vadd.f32 $0.0e+00, v32;
	v12 =	vld [tilespmem:$0x1FDD0]  }
0x343: {  	v51 =	vadd.f32 v19, v5;
	v5 =	vadd.f32 $0.0e+00, v8;
	v8 =	vmul.f32 v7, v6;
	v6 =	vld [tilespmem:$0x1FD90]  }
0x344: {  	v7 =	vld [tilespmem:$0x1FDA0]  }
0x345: {  	v13 =	vld [tilespmem:$0x1FDE0];
	v32 =	vadd.f32 v15, v32  }
0x346: {  	v14 =	vadd.f32 $0.0e+00, v11;
	v11 =	vmul.f32 v10, v9;
	v9 =	vld [tilespmem:$0x1FDB0];
	v34 =	vmul.f32 v4, v34  }
0x347: {  	v10 =	vld [tilespmem:$0x1FDC0]  }
0x348: {  	v1 =	vmul.f32 v17, v16;
	v32 =	vadd.f32 v34, v32;
	v34 =	vld [tilespmem:$0x1FDF0]  }
0x349: {  	v3 =	vadd.f32 v0, v5;
	v0 =	vmul.f32 v7, v6;
	v6 =	vld [tilespmem:$0x1FE00]  }
0x34a: {  	v22 =	vld [tilespmem:$0x1820];
	v1 =	vadd.f32 $0.0e+00, v1  }
0x34b: {  	v21 =	vmul.f32 v33, v21;
	v33 =	vld [tilespmem:$0x2050];
	v14 =	vadd.f32 v8, v14  }
0x34c: {  	v8 =	vadd.f32 v11, v1;
	v11 =	vmul.f32 v10, v9;
	v1 =	vmul.f32 v13, v12;
	v9 =	vld [tilespmem:$0x1FE30]  }
0x34d: {  	v7 =	vld [tilespmem:$0x1FE10]  }
0x34e: {  	v4 =	vadd.f32 v0, v3;
	v3 =	vmul.f32 v6, v34;
	v6 =	vadd.f32 v1, v8;
	v8 =	vld [tilespmem:$0x1FE20]  }
0x34f: {  	v10 =	vld [tilespmem:$0x1FE40]  }
0x350: {  	v12 =	vld [tilespmem:$0x1FE60]  }
0x351: {  	v5 =	vadd.f32 v11, v14;
	v11 =	vld [tilespmem:$0x1FE50]  }
0x352: {  	v35 =	vld [tilespmem:$0x1850]  }
0x353: {  	v2 =	vmul.f32 v8, v7;
	v8 =	vld [tilespmem:$0x1FE70]  }
0x354: {  	v7 =	vadd.f32 v3, v32;
	v32 =	vmul.f32 v10, v9;
	v9 =	vld [tilespmem:$0x1FE80]  }
0x355: {  	v19 =	vld [tilespmem:$0x850]  }
0x356: {  	v0 =	vmul.f32 v12, v11;
	v12 =	vld [tilespmem:$0x1FEA0]  }
0x357: {  	v10 =	vld [tilespmem:$0x1FE90]  }
0x358: {  	v5 =	vadd.f32 v32, v5;
	v32 =	vld [tilespmem:$0x1FEB0]  }
0x359: {  	v2 =	vadd.f32 v2, v4;
	v4 =	vmul.f32 v9, v8;
	v9 =	vld [tilespmem:$0x1FEC0]  }
0x35a: {  	v17 =	vld [tilespmem:$0x1860]  }
0x35b: {  	v16 =	vld [tilespmem:$0x870]  }
0x35c: {  	v15 =	vld [tilespmem:$0x1870]  }
0x35d: {  	v1 =	vmul.f32 v12, v10;
	v10 =	vld [tilespmem:$0x1FED0]  }
0x35e: {  	v3 =	vadd.f32 v0, v6;
	v8 =	vld [tilespmem:$0x1FEE0];
	v6 =	vmul.f32 v9, v32  }
0x35f: {  	v9 =	vld [tilespmem:$0x1FEF0]  }
0x360: {  	v5 =	vadd.f32 v6, v5;
	v6 =	vld [tilespmem:$0x1FF00]  }
0x361: {  	v18 =	vld [tilespmem:$0x860]  }
0x362: {  	v13 =	vld [tilespmem:$0xC00]  }
0x363: {  	v14 =	vld [tilespmem:$0xC10]  }
0x364: {  	v7 =	vadd.f32 v4, v7;
	v4 =	vadd.f32 v1, v2;
	v2 =	vmul.f32 v8, v10;
	v8 =	vld [tilespmem:$0x1FF10]  }
0x365: {  	v6 =	vmul.f32 v6, v9;
	v9 =	vld [tilespmem:$0x1FF20]  }
0x366: {  	v11 =	vld [tilespmem:$0x1C10]  }
0x367: {  	v34 =	vld [tilespmem:$0x1C00]  }
0x368: {  	v12 =	vld [tilespmem:$0xC20]  }
0x369: {  	v1 =	vld [tilespmem:$0x1FF30]  }
0x36a: {  	v0 =	vmul.f32 v9, v8;
	v8 =	vld [tilespmem:$0x1FF40]  }
0x36b: {  	v32 =	vld [tilespmem:$0x1C20]  }
0x36c: {  	v6 =	vadd.f32 v6, v7;
	v7 =	vld [tilespmem:$0x1FF80]  }
0x36d: {  	v0 =	vadd.f32 v0, v4;
	v4 =	vld [tilespmem:$0x1FF70]  }
0x36e: {  	v10 =	vld [tilespmem:$0xC30]  }
0x36f: {  	v2 =	vadd.f32 v2, v3;
	v3 =	vmul.f32 v8, v1;
	v1 =	vld [tilespmem:$0x1FF50]  }
0x370: {  	v8 =	vld [tilespmem:$0x1FF60]  }
0x371: {  	v36 =	vmul.f32 v36, v39;
	v12 =	vmul.f32 v32, v12;
	v32 =	vld [tilespmem:$0x1050]  }
0x372: {  	v31 =	vmul.f32 v31, v38;
	v4 =	vmul.f32 v7, v4;
	v3 =	vadd.f32 v3, v5;
	v5 =	vld [tilespmem:$0x1FF90]  }
0x373: {  	v27 =	vmul.f32 v27, v28;
	v25 =	vmul.f32 v25, v26;
	v9 =	vld [tilespmem:$0x1C30]  }
0x374: {  	v20 =	vmul.f32 v20, v23;
	v7 =	vld [tilespmem:$0x1C40];
	v4 =	vadd.f32 v4, v6;
	v6 =	vmul.f32 v61, v62  }
0x375: {  	v61 =	vmul.f32 v47, v52;
	v47 =	vld [tilespmem:$0x1C60];
	v1 =	vmul.f32 v8, v1  }
0x376: {  	v22 =	vmul.f32 v22, v24;
	v62 =	vmul.f32 v44, v48;
	v44 =	vld [tilespmem:$0xC70]  }
0x377: {  	v52 =	vld [tilespmem:$0x1000];
	v3 =	vadd.f32 v6, v3;
	v1 =	vadd.f32 v1, v2;
	v2 =	vmul.f32 v63, v5  }
0x378: {  	v19 =	vmul.f32 v35, v19;
	v8 =	vld [tilespmem:$0xC40];
	v6 =	vadd.f32 $0.0e+00, v61;
	v61 =	vadd.f32 v29, v57  }
0x379: {  	v29 =	vld [tilespmem:$0x2030];
	v63 =	vmul.f32 v54, v56;
	v54 =	vadd.f32 $0.0e+00, v42;
	v0 =	vadd.f32 v2, v0  }
0x37a: {  	v15 =	vmul.f32 v15, v16;
	v57 =	vld [tilespmem:$0x1FFB0];
	v2 =	vadd.f32 v58, v4;
	v4 =	vadd.f32 $0.0e+00, v62  }
0x37b: {  	v17 =	vmul.f32 v17, v18;
	v5 =	vld [tilespmem:$0xC50];
	v6 =	vadd.f32 v37, v6;
	v20 =	vadd.f32 v20, v61  }
0x37c: {  	v11 =	vmul.f32 v11, v14;
	v56 =	vld [tilespmem:$0x1010];
	v1 =	vadd.f32 v59, v1;
	v4 =	vadd.f32 v36, v4  }
0x37d: {  	v13 =	vmul.f32 v34, v13;
	v3 =	vadd.f32 v63, v3;
	v58 =	vld [tilespmem:$0x2010];
	v31 =	vadd.f32 v31, v54  }
0x37e: {  	v9 =	vmul.f32 v9, v10;
	v59 =	vld [tilespmem:$0x1020];
	v6 =	vadd.f32 v27, v6;
	v4 =	vadd.f32 v25, v4  }
0x37f: {  	v35 =	vmul.f32 v47, v55;
	v0 =	vadd.f32 v53, v0;
	v53 =	vld [tilespmem:$0x2000];
	v22 =	vadd.f32 v22, v31  }
0x380: {  	v62 =	vld [tilespmem:$0x2020];
	v47 =	vmul.f32 v40, v44;
	v6 =	vadd.f32 v21, v6;
	v4 =	vadd.f32 v19, v4  }
0x381: {  	v15 =	vadd.f32 v15, v20;
	v7 =	vmul.f32 v7, v8;
	v31 =	vld [tilespmem:$0x2040];
	v17 =	vadd.f32 v17, v22  }
0x382: {  	v63 =	vld [tilespmem:$0x1030];
	v5 =	vmul.f32 v60, v5;
	v6 =	vadd.f32 v13, v6;
	v4 =	vadd.f32 v11, v4  }
0x383: {  	v8 =	vmul.f32 v33, v32;
	v36 =	vld [tilespmem:$0x1060];
	v43 =	vmul.f32 v58, v56;
	v34 =	vadd.f32 v12, v17  }
0x384: {  	v58 =	vld [tilespmem:$0x1FFC0];
	v6 =	vadd.f32 v7, v6;
	v39 =	vmul.f32 v53, v52;
	v4 =	vadd.f32 v5, v4  }
0x385: {  	v9 =	vadd.f32 v9, v15;
	v48 =	vmul.f32 v62, v59;
	v52 =	vld [tilespmem:$0x2070];
	v42 =	vadd.f32 v35, v34  }
0x386: {  	v53 =	vmul.f32 v31, v30;
	v6 =	vadd.f32 v39, v6;
	v4 =	vadd.f32 v43, v4  }
0x387: {  	v9 =	vadd.f32 v47, v9;
	v54 =	vmul.f32 v29, v63;
	v5 =	vadd.f32 v48, v42  }
0x388: {  	v60 =	vld [tilespmem:$0x1FFD0];
	v55 =	vmul.f32 v41, v36;
	v6 =	vadd.f32 v53, v6;
	v4 =	vadd.f32 v8, v4  }
0x389: {  	[tilespmem:$0x2200] =	vst v49;
	v0 =	vadd.f32 v0, v2;
	v56 =	vld [tilespmem:$0x1FFA0];
	v59 =	vadd.f32 v54, v9;
	v10 =	vmul.f32 v58, v57  }
0x38a: {  	[tilespmem:$0x2280] =	vst v50;
	v5 =	vadd.f32 v55, v5;
	v61 =	vmul.f32 v52, v45;
	v4 =	vadd.f32 v4, v6  }
0x38b: {  	[tilespmem:$0x2180] =	vst v46;
	v0 =	vadd.f32 v3, v0;
	v1 =	vadd.f32 v10, v1  }
0x38c: {  	[tilespmem:$0x2300] =	vst v51;
	v2 =	vadd.f32 v61, v59;
	v62 =	vadd.f32 v5, v4  }
0x38d: {  	[tilespmem:$0x2100] =	vst v60;
	v0 =	vadd.f32 v1, v0  }
0x38e: {  	[tilespmem:$0x2080] =	vst v56;
	v63 =	vadd.f32 v2, v62  }
0x38f: {  	p0 =	sne.s32 s7, $0x1;
	[tilespmem:$0x2380] =	vst v0  }
.Ltmp0:
0x390: {  	[tilespmem:$0x2400] =	vst v63;
	(pc) =	sbr.rel @p0 .LBB2_1-.Ltmp0, $4  }
0x391: {  	[hbm4b:s6+s2] =	stream.linear.scatter [tilespmem:s14], [sflag:$0x2], $0x400, $0x38;
	[tilespmem:$0x2480] =	vst v63  }
0x392: {  	_ =	swait.ge [sflag:s8], $0x400  }
0x393: {  	[sflag:s8] =	ssyncset.done $0x0  }
0x394: {  	s7 =	sadd.s32 $0xFFFFFFFF, s7;
	[sflag:s8] =	ssyncadd.s32 $0xFFFFFC00  }
0x395: {  	_ =	sfence.sel $0x180000  }
0x396: {  	[bflag:$0x0] =	sbarrier.arrive $0xFFFF  }
0x397: {  	p0 =	sne.s32 s1, $0x0;
	_ =	strace $0x90000047  }
0x398: {  	s0 =	sadd.s32 @!p0 $0x100000, s0;
	[bflag:$0x2] =	sbarrier.arrive $0xFFFF  }
0x399: {  	[sflag:s0] =	ssyncadd.tile.s32 @!p0 $0x1;
	_ =	shalt  }
.Lfunc_end2:
_tile_overlayer_lowered:
.L_overlay_start_2:
0x39a: {  	(tag) =	ssettag $0x2  }
0x39b: {  	s0 =	rddreg [dreg:$0x0];
	s2 =	stileid.u32  }
0x39c: {  	s1 =	rddreg [dreg:$0x1];
	p0 =	sne.s32 s2, $0x0  }
0x39d: {  	s3 =	rddreg [dreg:$0x2];
	[bflag:$0x3] =	sbarrier.arrive $0xFFFF;
	s2 =	simm.s32 @!p0 $0x1C02  }
0x39e: {  	[timem:s3], [sflag:s2] =	dma.local @!p0 [hbm:s0], s1  }
0x39f: {  	s0 =	simm.s32 @!p0 $0x2  }
0x3a0: {  	_ =	swait.ge @!p0 [sflag:s0], s1  }
0x3a1: {  	s1 =	ssub.s32 @!p0 $0x0, s1;
	[sflag:s0] =	ssyncset.done @!p0 $0x0  }
0x3a2: {  	[sflag:s0] =	ssyncadd.s32 @!p0 s1  }
0x3a3: {  	[bflag:$0x3] =	sbarrier.arrive $0xFFFF  }
0x3a4: {  	_ =	shalt  }

</sc_bundles>
